<compile_context>
chip_gen: v7x
topology: tpu7x:2x2x1
jax: 0.10.2.dev20260603
libtpu: 0.0.44.dev20260713+nightly
codegen_flags: <defaults>
</compile_context>

<pallas_src>
import functools

import jax
import jax.numpy as jnp
from jax import lax
from jax.experimental import pallas as pl
from jax.experimental.pallas import tpu as pltpu
from jax.experimental.pallas import tpu_sc as plsc

_NSUB = 16
_F32 = jnp.float32


def _make_sc_segsum(n, e, w, k):
    ept = e // _NSUB
    nfull = ept // k
    erem = ept % k
    npair = nfull // 2
    odd_full = nfull % 2
    rpt = n // _NSUB
    nz = rpt // k
    zrem = rpt % k
    mesh = plsc.VectorSubcoreMesh(core_axis_name="c", subcore_axis_name="s")

    @functools.partial(
        pl.kernel,
        out_type=[jax.ShapeDtypeStruct((n, w), _F32),
                  jax.ShapeDtypeStruct((n, w), _F32)],
        mesh=mesh,
        scratch_types=[
            pltpu.VMEM((ept,), jnp.int32),
            pltpu.VMEM((ept,), jnp.int32),
            pltpu.VMEM((k, w), _F32),
            pltpu.VMEM((k, w), _F32),
            pltpu.VMEM_SHARED((n, w), _F32),
            pltpu.SemaphoreType.DMA,
            pltpu.SemaphoreType.DMA,
        ],
        compiler_params=pltpu.CompilerParams(use_tc_tiling_on_sc=False),
    )
    def sc_segsum(ya, yb, ei, outa, outb, srcI, dstI, rowsA, rowsB,
                  acc, semA, semB):
        cid = lax.axis_index("c")
        sid = lax.axis_index("s")

        def start_gather(idx, rows, sem):
            @pl.when(cid == 0)
            def _():
                pltpu.async_copy(ya.at[idx], rows, sem)

            @pl.when(cid == 1)
            def _():
                pltpu.async_copy(yb.at[idx], rows, sem)

        def wait_gather(idx, rows, sem):
            @pl.when(cid == 0)
            def _():
                pltpu.make_async_copy(ya.at[idx], rows, sem).wait()

            @pl.when(cid == 1)
            def _():
                pltpu.make_async_copy(yb.at[idx], rows, sem).wait()

        base_e = sid * ept
        pltpu.async_copy(ei.at[0, pl.ds(base_e, ept)], srcI, semA)
        pltpu.async_copy(ei.at[1, pl.ds(base_e, ept)], dstI, semB)

        zero = jnp.zeros((16,), _F32)

        def zrow(i, carry):
            def zcol(j, c2):
                rowsB[i, pl.ds(j * 16, 16)] = zero
                return c2
            return lax.fori_loop(0, w // 16, zcol, carry)

        lax.fori_loop(0, k, zrow, 0)
        base_r = sid * rpt
        for j in range(nz):
            pltpu.sync_copy(rowsB, acc.at[pl.ds(base_r + j * k, k)])
        if zrem:
            pltpu.sync_copy(rowsB.at[pl.ds(0, zrem)],
                            acc.at[pl.ds(base_r + nz * k, zrem)])
        pltpu.make_async_copy(ei.at[0, pl.ds(base_e, ept)], srcI,
                              semA).wait()
        pltpu.make_async_copy(ei.at[1, pl.ds(base_e, ept)], dstI,
                              semB).wait()

        if nfull >= 1:
            start_gather(srcI.at[pl.ds(0, k)], rowsA, semA)
        plsc.subcore_barrier()

        def pair(t, carry):
            off0 = 2 * t * k
            start_gather(srcI.at[pl.ds(off0 + k, k)], rowsB, semB)
            wait_gather(srcI.at[pl.ds(off0, k)], rowsA, semA)
            pltpu.sync_copy(rowsA, acc.at[dstI.at[pl.ds(off0, k)]],
                            add=True)

            @pl.when(2 * t + 2 < nfull)
            def _():
                start_gather(srcI.at[pl.ds(off0 + 2 * k, k)], rowsA, semA)

            wait_gather(srcI.at[pl.ds(off0 + k, k)], rowsB, semB)
            pltpu.sync_copy(rowsB, acc.at[dstI.at[pl.ds(off0 + k, k)]],
                            add=True)
            return carry

        if npair:
            lax.fori_loop(0, npair, pair, 0)
        if odd_full:
            offl = (nfull - 1) * k
            wait_gather(srcI.at[pl.ds(offl, k)], rowsA, semA)
            pltpu.sync_copy(rowsA, acc.at[dstI.at[pl.ds(offl, k)]],
                            add=True)
        if erem:
            offr = nfull * k
            rslice = rowsB.at[pl.ds(0, erem)]
            start_gather(srcI.at[pl.ds(offr, erem)], rslice, semB)
            wait_gather(srcI.at[pl.ds(offr, erem)], rslice, semB)
            pltpu.sync_copy(rslice, acc.at[dstI.at[pl.ds(offr, erem)]],
                            add=True)
        plsc.subcore_barrier()

        @pl.when(cid == 0)
        def _():
            pltpu.sync_copy(acc.at[pl.ds(base_r, rpt)],
                            outa.at[pl.ds(base_r, rpt)])

        @pl.when(cid == 1)
        def _():
            pltpu.sync_copy(acc.at[pl.ds(base_r, rpt)],
                            outb.at[pl.ds(base_r, rpt)])

    return sc_segsum


def _make_sc_segsum_es(n, e, w, k):
    half = e // 2
    ept = half // _NSUB
    nfull = ept // k
    erem = ept % k
    npair = nfull // 2
    odd_full = nfull % 2
    rpt = n // _NSUB
    nz = rpt // k
    zrem = rpt % k
    mesh = plsc.VectorSubcoreMesh(core_axis_name="c", subcore_axis_name="s")

    @functools.partial(
        pl.kernel,
        out_type=[jax.ShapeDtypeStruct((n, w), _F32),
                  jax.ShapeDtypeStruct((n, w), _F32)],
        mesh=mesh,
        scratch_types=[
            pltpu.VMEM((ept,), jnp.int32),
            pltpu.VMEM((ept,), jnp.int32),
            pltpu.VMEM((k, w), _F32),
            pltpu.VMEM((k, w), _F32),
            pltpu.VMEM_SHARED((n, w), _F32),
            pltpu.SemaphoreType.DMA,
            pltpu.SemaphoreType.DMA,
        ],
        compiler_params=pltpu.CompilerParams(use_tc_tiling_on_sc=False),
    )
    def sc_segsum_es(y, ei, outa, outb, srcI, dstI, rowsA, rowsB,
                     acc, semA, semB):
        cid = lax.axis_index("c")
        sid = lax.axis_index("s")

        base_e = cid * half + sid * ept
        pltpu.async_copy(ei.at[0, pl.ds(base_e, ept)], srcI, semA)
        pltpu.async_copy(ei.at[1, pl.ds(base_e, ept)], dstI, semB)

        zero = jnp.zeros((16,), _F32)

        def zrow(i, carry):
            def zcol(j, c2):
                rowsB[i, pl.ds(j * 16, 16)] = zero
                return c2
            return lax.fori_loop(0, w // 16, zcol, carry)

        lax.fori_loop(0, k, zrow, 0)
        base_r = sid * rpt
        for j in range(nz):
            pltpu.sync_copy(rowsB, acc.at[pl.ds(base_r + j * k, k)])
        if zrem:
            pltpu.sync_copy(rowsB.at[pl.ds(0, zrem)],
                            acc.at[pl.ds(base_r + nz * k, zrem)])
        pltpu.make_async_copy(ei.at[0, pl.ds(base_e, ept)], srcI,
                              semA).wait()
        pltpu.make_async_copy(ei.at[1, pl.ds(base_e, ept)], dstI,
                              semB).wait()

        if nfull >= 1:
            pltpu.async_copy(y.at[srcI.at[pl.ds(0, k)]], rowsA, semA)
        plsc.subcore_barrier()

        def pair(t, carry):
            off0 = 2 * t * k
            pltpu.async_copy(y.at[srcI.at[pl.ds(off0 + k, k)]], rowsB,
                             semB)
            pltpu.make_async_copy(y.at[srcI.at[pl.ds(off0, k)]], rowsA,
                                  semA).wait()
            pltpu.sync_copy(rowsA, acc.at[dstI.at[pl.ds(off0, k)]],
                            add=True)

            @pl.when(2 * t + 2 < nfull)
            def _():
                pltpu.async_copy(y.at[srcI.at[pl.ds(off0 + 2 * k, k)]],
                                 rowsA, semA)

            pltpu.make_async_copy(y.at[srcI.at[pl.ds(off0 + k, k)]],
                                  rowsB, semB).wait()
            pltpu.sync_copy(rowsB, acc.at[dstI.at[pl.ds(off0 + k, k)]],
                            add=True)
            return carry

        if npair:
            lax.fori_loop(0, npair, pair, 0)
        if odd_full:
            offl = (nfull - 1) * k
            pltpu.make_async_copy(y.at[srcI.at[pl.ds(offl, k)]], rowsA,
                                  semA).wait()
            pltpu.sync_copy(rowsA, acc.at[dstI.at[pl.ds(offl, k)]],
                            add=True)
        if erem:
            offr = nfull * k
            rslice = rowsB.at[pl.ds(0, erem)]
            pltpu.async_copy(y.at[srcI.at[pl.ds(offr, erem)]], rslice,
                             semB)
            pltpu.make_async_copy(y.at[srcI.at[pl.ds(offr, erem)]],
                                  rslice, semB).wait()
            pltpu.sync_copy(rslice, acc.at[dstI.at[pl.ds(offr, erem)]],
                            add=True)
        plsc.subcore_barrier()

        @pl.when(cid == 0)
        def _():
            pltpu.sync_copy(acc.at[pl.ds(base_r, rpt)],
                            outa.at[pl.ds(base_r, rpt)])

        @pl.when(cid == 1)
        def _():
            pltpu.sync_copy(acc.at[pl.ds(base_r, rpt)],
                            outb.at[pl.ds(base_r, rpt)])

    return sc_segsum_es


def _make_sc_count(n, e, kc):
    half = e // 2
    ept = half // _NSUB
    nchunks = ept // kc
    rpt = n // _NSUB
    nz = rpt // kc
    zrem = rpt % kc
    mesh = plsc.VectorSubcoreMesh(core_axis_name="c", subcore_axis_name="s")

    @functools.partial(
        pl.kernel,
        out_type=[jax.ShapeDtypeStruct((n, 16), _F32),
                  jax.ShapeDtypeStruct((n, 16), _F32)],
        mesh=mesh,
        scratch_types=[
            pltpu.VMEM((kc,), jnp.int32),
            pltpu.VMEM((kc, 16), _F32),
            pltpu.VMEM_SHARED((n, 16), _F32),
        ],
        compiler_params=pltpu.CompilerParams(use_tc_tiling_on_sc=False),
    )
    def sc_count(ei, cnta, cntb, dstb, ones, acc):
        cid = lax.axis_index("c")
        sid = lax.axis_index("s")

        zero = jnp.zeros((16,), _F32)

        def zrow(i, carry):
            ones[i, pl.ds(0, 16)] = zero
            return carry

        lax.fori_loop(0, kc, zrow, 0)
        base_r = sid * rpt
        for j in range(nz):
            pltpu.sync_copy(ones, acc.at[pl.ds(base_r + j * kc, kc)])
        if zrem:
            pltpu.sync_copy(ones.at[pl.ds(0, zrem)],
                            acc.at[pl.ds(base_r + nz * kc, zrem)])

        one = jnp.ones((16,), _F32)

        def orow(i, carry):
            ones[i, pl.ds(0, 16)] = one
            return carry

        lax.fori_loop(0, kc, orow, 0)
        plsc.subcore_barrier()

        base_e = cid * half + sid * ept

        def chunk(i, carry):
            pltpu.sync_copy(ei.at[1, pl.ds(base_e + i * kc, kc)], dstb)
            pltpu.sync_copy(ones, acc.at[dstb], add=True)
            return carry

        lax.fori_loop(0, nchunks, chunk, 0)
        plsc.subcore_barrier()

        @pl.when(cid == 0)
        def _():
            pltpu.sync_copy(acc.at[pl.ds(base_r, rpt)],
                            cnta.at[pl.ds(base_r, rpt)])

        @pl.when(cid == 1)
        def _():
            pltpu.sync_copy(acc.at[pl.ds(base_r, rpt)],
                            cntb.at[pl.ds(base_r, rpt)])

    return sc_count


def _tc1_body(x_ref, wl_ref, ya_ref, yb_ref):
    t = jnp.dot(x_ref[...], wl_ref[...], preferred_element_type=_F32)
    ya_ref[...] = t[:, :128]
    yb_ref[...] = t[:, 128:]


def _tc2_body(sa_ref, sb_ref, ca_ref, cb_ref, x_ref, w1r_ref, b1_ref,
              w2l_ref, w2r_ref, y2_ref, hrc_ref):
    sa = sa_ref[...]
    cnt = jnp.maximum(ca_ref[:, :1] + cb_ref[:, :1], 1.0)
    xr = jnp.dot(x_ref[...], w1r_ref[...], preferred_element_type=_F32)
    h = (jnp.concatenate([sa, sb_ref[...]], axis=1) / cnt
         + xr + b1_ref[...])
    h = jnp.maximum(h, 0.0)
    y2_ref[...] = jnp.dot(h, w2l_ref[...], preferred_element_type=_F32)
    hr = jnp.dot(h, w2r_ref[...], preferred_element_type=_F32)
    zeros = jnp.zeros((sa.shape[0], 15), _F32)
    hrc_ref[...] = jnp.concatenate([hr, cnt, zeros], axis=1)


def _tc3_body(s2a_ref, s2b_ref, hrc_ref, b2_ref, out_ref):
    hrc = hrc_ref[...]
    cnt = hrc[:, 128:129]
    pre = ((s2a_ref[...] + s2b_ref[...]) / cnt
           + hrc[:, :128] + b2_ref[...])
    mx = jnp.max(pre, axis=1, keepdims=True)
    lse = jnp.log(jnp.sum(jnp.exp(pre - mx), axis=1, keepdims=True))
    out_ref[...] = pre - mx - lse


def kernel(x, edge_index, W1_l, W1_r, b1, W2_l, W2_r, b2):
    n, d_in = x.shape
    e = edge_index.shape[1]
    d_h = W1_l.shape[1]
    d_out = W2_l.shape[1]
    rb = 2000
    grid = (n // rb,)
    row_spec = lambda w_: pl.BlockSpec((rb, w_), lambda r: (r, 0))
    full_spec = lambda a, b_: pl.BlockSpec((a, b_), lambda r: (0, 0))

    cnta, cntb = _make_sc_count(n, e, 1000)(edge_index)

    ya, yb = pl.pallas_call(
        _tc1_body,
        grid=grid,
        in_specs=[row_spec(d_in), full_spec(d_in, d_h)],
        out_specs=[row_spec(128), row_spec(128)],
        out_shape=[jax.ShapeDtypeStruct((n, 128), _F32),
                   jax.ShapeDtypeStruct((n, 128), _F32)],
    )(x, W1_l)

    sa, sb = _make_sc_segsum(n, e, 128, 120)(ya, yb, edge_index)

    y2, hrc = pl.pallas_call(
        _tc2_body,
        grid=grid,
        in_specs=[row_spec(128), row_spec(128), row_spec(16), row_spec(16),
                  row_spec(d_in), full_spec(d_in, d_h), full_spec(1, d_h),
                  full_spec(d_h, d_out), full_spec(d_h, d_out)],
        out_specs=[row_spec(128), row_spec(144)],
        out_shape=[jax.ShapeDtypeStruct((n, 128), _F32),
                   jax.ShapeDtypeStruct((n, 144), _F32)],
    )(sa, sb, cnta, cntb, x, W1_r, b1.reshape(1, d_h), W2_l, W2_r)

    s2a, s2b = _make_sc_segsum_es(n, e, 128, 128)(y2, edge_index)

    out = pl.pallas_call(
        _tc3_body,
        grid=grid,
        in_specs=[row_spec(128), row_spec(128), row_spec(144),
                  full_spec(1, d_out)],
        out_specs=row_spec(d_out),
        out_shape=jax.ShapeDtypeStruct((n, d_out), _F32),
    )(s2a, s2b, hrc, b2.reshape(1, d_out))
    return out

# --- scband reference (transcript-rebuilt; emitter-appended) ---
"""Pipeline reference for scband-net-90400471646208 (READ-ONLY COPY).

The authoritative reference and input builder live on the scoring server;
editing this copy changes nothing except your own understanding.
"""

import jax, jax.numpy as jnp
import numpy as np

N = 10000
E = 160000
D_IN = 256
D_H = 256
D_OUT = 128


def setup_inputs(seed: int = 0) -> dict:
    key = jax.random.key(seed)
    ks = jax.random.split(key, 9)
    x = jax.random.normal(ks[0], (N, D_IN), dtype=jnp.float32)
    edge_index = jax.random.randint(ks[1], (2, E), 0, N, dtype=jnp.int32)
    s1 = 1.0 / np.sqrt(D_IN)
    s2 = 1.0 / np.sqrt(D_H)
    W1_l = jax.random.uniform(ks[2], (D_IN, D_H), jnp.float32, -s1, s1)
    W1_r = jax.random.uniform(ks[3], (D_IN, D_H), jnp.float32, -s1, s1)
    b1 = jax.random.uniform(ks[4], (D_H,), jnp.float32, -s1, s1)
    W2_l = jax.random.uniform(ks[5], (D_H, D_OUT), jnp.float32, -s2, s2)
    W2_r = jax.random.uniform(ks[6], (D_H, D_OUT), jnp.float32, -s2, s2)
    b2 = jax.random.uniform(ks[7], (D_OUT,), jnp.float32, -s2, s2)
    return {"x": x, "edge_index": edge_index, "W1_l": W1_l, "W1_r": W1_r, "b1": b1,
            "W2_l": W2_l, "W2_r": W2_r, "b2": b2}


def _sage_conv(x, src, dst, W_l, b_l, W_r, num_nodes):
    # PyG SAGEConv (mean aggr, normalize=False):
    # out = lin_l(mean_{j in N(i)} x_j) + lin_r(x_i)
    msgs = jnp.take(x, src, axis=0)
    agg = jax.ops.segment_sum(msgs, dst, num_segments=num_nodes)
    cnt = jax.ops.segment_sum(jnp.ones((src.shape[0],), dtype=x.dtype), dst, num_segments=num_nodes)
    cnt = jnp.clip(cnt, 1.0, None)
    agg = agg / cnt[:, None]
    return agg @ W_l + b_l + x @ W_r


def reference(x, edge_index, W1_l, W1_r, b1, W2_l, W2_r, b2):
    src = edge_index[0]
    dst = edge_index[1]
    # dropout is identity in eval mode
    h = _sage_conv(x, src, dst, W1_l, b1, W1_r, N)
    h = jax.nn.relu(h)
    h = _sage_conv(h, src, dst, W2_l, b2, W2_r, N)
    return jax.nn.log_softmax(h, axis=1)

if __name__ == "__main__":
    import jax
    _d = setup_inputs()
    print(jax.jit(kernel)(*tuple(_d.values())))

</pallas_src>

<mosaic_0001>
#map = affine_map<(d0, d1) -> (0, 0)>
module attributes {stable_mosaic.version = 14 : i64} {
  func.func @sc_segsum_es(%arg0: i32, %arg1: i32, %arg2: memref<10000x128xf32, #tpu.memory_space<hbm>>, %arg3: memref<2x160000xi32, #tpu.memory_space<hbm>>, %arg4: memref<10000x128xf32, #tpu.memory_space<hbm>>, %arg5: memref<10000x128xf32, #tpu.memory_space<hbm>>, %arg6: memref<5000xi32, #tpu.memory_space<vmem>>, %arg7: memref<5000xi32, #tpu.memory_space<vmem>>, %arg8: memref<128x128xf32, #tpu.memory_space<vmem>>, %arg9: memref<128x128xf32, #tpu.memory_space<vmem>>, %arg10: memref<10000x128xf32, #tpu.memory_space<vmem_shared>>, %arg11: memref<!tpu.dma_semaphore, #tpu.memory_space<semaphore_mem>>, %arg12: memref<!tpu.dma_semaphore, #tpu.memory_space<semaphore_mem>>) attributes {dimension_semantics = [#tpu.dimension_semantics<core_parallel>, #tpu.dimension_semantics<subcore_parallel>], iteration_bounds = array<i64: 2, 16>, scalar_prefetch = 0 : i64, scratch_operands = 7 : i64, tpu.core_type = #tpu.core_type<sc_vector_subcore>, window_params = [{transform_indices = #map}, {transform_indices = #map}, {transform_indices = #map}, {transform_indices = #map}]} {
    %mul3A = arith.constant 80000 : i32
    %mul3A_0 = arith.muli %arg0, %mul3A : i32
    %mul3A_1 = arith.constant 5000 : i32
    %mul3A_2 = arith.muli %arg1, %mul3A_1 : i32
    %add3A = arith.addi %mul3A_0, %mul3A_2 : i32
    %dma_start3A = arith.constant 0 : i32
    %dma_start3A_3 = tpu.memref_slice %arg3[%dma_start3A, %add3A] : memref<2x160000xi32, #tpu.memory_space<hbm>> -> memref<1x5000xi32, #tpu.memory_space<hbm>>
    %dma_start3A_4 = tpu.memref_squeeze %dma_start3A_3 : memref<1x5000xi32, #tpu.memory_space<hbm>> -> memref<5000xi32, #tpu.memory_space<hbm>>
    %dma_start3A_5 = tpu.memref_slice %arg3[%dma_start3A, %add3A] : memref<2x160000xi32, #tpu.memory_space<hbm>> -> memref<1x5000xi32, #tpu.memory_space<hbm>>
    %dma_start3A_6 = tpu.memref_squeeze %dma_start3A_5 : memref<1x5000xi32, #tpu.memory_space<hbm>> -> memref<5000xi32, #tpu.memory_space<hbm>>
    tpu.enqueue_dma source(%dma_start3A_6 : memref<5000xi32, #tpu.memory_space<hbm>>) target(%arg6 : memref<5000xi32, #tpu.memory_space<vmem>>) target_semaphore(%arg11 : memref<!tpu.dma_semaphore, #tpu.memory_space<semaphore_mem>>)
    %dma_start3A_7 = arith.constant 1 : i32
    %dma_start3A_8 = tpu.memref_slice %arg3[%dma_start3A_7, %add3A] : memref<2x160000xi32, #tpu.memory_space<hbm>> -> memref<1x5000xi32, #tpu.memory_space<hbm>>
    %dma_start3A_9 = tpu.memref_squeeze %dma_start3A_8 : memref<1x5000xi32, #tpu.memory_space<hbm>> -> memref<5000xi32, #tpu.memory_space<hbm>>
    %dma_start3A_10 = tpu.memref_slice %arg3[%dma_start3A_7, %add3A] : memref<2x160000xi32, #tpu.memory_space<hbm>> -> memref<1x5000xi32, #tpu.memory_space<hbm>>
    %dma_start3A_11 = tpu.memref_squeeze %dma_start3A_10 : memref<1x5000xi32, #tpu.memory_space<hbm>> -> memref<5000xi32, #tpu.memory_space<hbm>>
    tpu.enqueue_dma source(%dma_start3A_11 : memref<5000xi32, #tpu.memory_space<hbm>>) target(%arg7 : memref<5000xi32, #tpu.memory_space<vmem>>) target_semaphore(%arg12 : memref<!tpu.dma_semaphore, #tpu.memory_space<semaphore_mem>>)
    %broadcast_in_dim3A = arith.constant 0.000000e+00 : f32
    %broadcast_in_dim3A_12 = vector.broadcast %broadcast_in_dim3A : f32 to vector<16xf32>
    %scan3A = arith.constant 0 : i32
    %scan3A_13 = arith.constant 0 : i32
    %scan3A_14 = arith.constant 128 : i32
    %scan3A_15 = arith.addi %scan3A_13, %scan3A_14 : i32
    %scan3A_16 = arith.constant 1 : i32
    scf.for %scan3A_79 = %scan3A_13 to %scan3A_15 step %scan3A_16  : i32 {
      %scan3A_80 = arith.constant 0 : i32
      %scan3A_81 = arith.constant 8 : i32
      %scan3A_82 = arith.addi %scan3A_80, %scan3A_81 : i32
      %scan3A_83 = arith.constant 1 : i32
      scf.for %scan3A_85 = %scan3A_80 to %scan3A_82 step %scan3A_83  : i32 {
        %mul3A_86 = arith.constant 16 : i32
        %mul3A_87 = arith.muli %scan3A_85, %mul3A_86 : i32
        %swap3A = arith.index_cast %scan3A_79 : i32 to index
        %swap3A_88 = arith.index_cast %mul3A_87 : i32 to index
        %swap3A_89 = tpu.vector_load %arg9[%swap3A, %swap3A_88] {strides = array<i32>} : memref<128x128xf32, #tpu.memory_space<vmem>>, vector<1x16xf32>,
        %swap3A_90 = vector.shape_cast %swap3A_89 : vector<1x16xf32> to vector<16xf32>
        %swap3A_91 = vector.shape_cast %broadcast_in_dim3A_12 : vector<16xf32> to vector<1x16xf32>
        tpu.vector_store %arg9[%swap3A, %swap3A_88], %swap3A_91 {strides = array<i32>} : memref<128x128xf32, #tpu.memory_space<vmem>>, vector<1x16xf32>,
      }
      %scan3A_84 = arith.constant 8 : i32
    }
    %scan3A_17 = arith.constant 128 : i32
    %mul3A_18 = arith.constant 625 : i32
    %mul3A_19 = arith.muli %arg1, %mul3A_18 : i32
    %add3A_20 = arith.constant 0 : i32
    %add3A_21 = arith.addi %mul3A_19, %add3A_20 : i32
    "tpu.region"() ({
      %run_scoped3A = tpu.sem_alloc : memref<!tpu.dma_semaphore, #tpu.memory_space<semaphore_mem>>
      %dma_start3A_79 = arith.constant 0 : i32
      %dma_start3A_80 = tpu.memref_slice %arg10[%add3A_21, %dma_start3A_79] : memref<10000x128xf32, #tpu.memory_space<vmem_shared>> -> memref<128x128xf32, #tpu.memory_space<vmem_shared>>
      %dma_start3A_81 = arith.constant 0 : i32
      %dma_start3A_82 = tpu.memref_slice %arg10[%add3A_21, %dma_start3A_81] : memref<10000x128xf32, #tpu.memory_space<vmem_shared>> -> memref<128x128xf32, #tpu.memory_space<vmem_shared>>
      tpu.enqueue_dma source(%arg9 : memref<128x128xf32, #tpu.memory_space<vmem>>) target(%dma_start3A_82 : memref<128x128xf32, #tpu.memory_space<vmem_shared>>) target_semaphore(%run_scoped3A : memref<!tpu.dma_semaphore, #tpu.memory_space<semaphore_mem>>)
      %dma_wait3A_83 = arith.constant 0 : i32
      %dma_wait3A_84 = tpu.memref_slice %arg10[%add3A_21, %dma_wait3A_83] : memref<10000x128xf32, #tpu.memory_space<vmem_shared>> -> memref<128x128xf32, #tpu.memory_space<vmem_shared>>
      %dma_wait3A_85 = arith.constant 0 : i32
      %dma_wait3A_86 = tpu.memref_slice %arg10[%add3A_21, %dma_wait3A_85] : memref<10000x128xf32, #tpu.memory_space<vmem_shared>> -> memref<128x128xf32, #tpu.memory_space<vmem_shared>>
      tpu.wait_dma2 semaphore(%run_scoped3A : memref<!tpu.dma_semaphore, #tpu.memory_space<semaphore_mem>>) src(%arg9 : memref<128x128xf32, #tpu.memory_space<vmem>>) dst(%dma_wait3A_86 : memref<128x128xf32, #tpu.memory_space<vmem_shared>>)
      tpu.yield
    }) : () -> ()
    %add3A_22 = arith.constant 128 : i32
    %add3A_23 = arith.addi %mul3A_19, %add3A_22 : i32
    "tpu.region"() ({
      %run_scoped3A = tpu.sem_alloc : memref<!tpu.dma_semaphore, #tpu.memory_space<semaphore_mem>>
      %dma_start3A_79 = arith.constant 0 : i32
      %dma_start3A_80 = tpu.memref_slice %arg10[%add3A_23, %dma_start3A_79] : memref<10000x128xf32, #tpu.memory_space<vmem_shared>> -> memref<128x128xf32, #tpu.memory_space<vmem_shared>>
      %dma_start3A_81 = arith.constant 0 : i32
      %dma_start3A_82 = tpu.memref_slice %arg10[%add3A_23, %dma_start3A_81] : memref<10000x128xf32, #tpu.memory_space<vmem_shared>> -> memref<128x128xf32, #tpu.memory_space<vmem_shared>>
      tpu.enqueue_dma source(%arg9 : memref<128x128xf32, #tpu.memory_space<vmem>>) target(%dma_start3A_82 : memref<128x128xf32, #tpu.memory_space<vmem_shared>>) target_semaphore(%run_scoped3A : memref<!tpu.dma_semaphore, #tpu.memory_space<semaphore_mem>>)
      %dma_wait3A_83 = arith.constant 0 : i32
      %dma_wait3A_84 = tpu.memref_slice %arg10[%add3A_23, %dma_wait3A_83] : memref<10000x128xf32, #tpu.memory_space<vmem_shared>> -> memref<128x128xf32, #tpu.memory_space<vmem_shared>>
      %dma_wait3A_85 = arith.constant 0 : i32
      %dma_wait3A_86 = tpu.memref_slice %arg10[%add3A_23, %dma_wait3A_85] : memref<10000x128xf32, #tpu.memory_space<vmem_shared>> -> memref<128x128xf32, #tpu.memory_space<vmem_shared>>
      tpu.wait_dma2 semaphore(%run_scoped3A : memref<!tpu.dma_semaphore, #tpu.memory_space<semaphore_mem>>) src(%arg9 : memref<128x128xf32, #tpu.memory_space<vmem>>) dst(%dma_wait3A_86 : memref<128x128xf32, #tpu.memory_space<vmem_shared>>)
      tpu.yield
    }) : () -> ()
    %add3A_24 = arith.constant 256 : i32
    %add3A_25 = arith.addi %mul3A_19, %add3A_24 : i32
    "tpu.region"() ({
      %run_scoped3A = tpu.sem_alloc : memref<!tpu.dma_semaphore, #tpu.memory_space<semaphore_mem>>
      %dma_start3A_79 = arith.constant 0 : i32
      %dma_start3A_80 = tpu.memref_slice %arg10[%add3A_25, %dma_start3A_79] : memref<10000x128xf32, #tpu.memory_space<vmem_shared>> -> memref<128x128xf32, #tpu.memory_space<vmem_shared>>
      %dma_start3A_81 = arith.constant 0 : i32
      %dma_start3A_82 = tpu.memref_slice %arg10[%add3A_25, %dma_start3A_81] : memref<10000x128xf32, #tpu.memory_space<vmem_shared>> -> memref<128x128xf32, #tpu.memory_space<vmem_shared>>
      tpu.enqueue_dma source(%arg9 : memref<128x128xf32, #tpu.memory_space<vmem>>) target(%dma_start3A_82 : memref<128x128xf32, #tpu.memory_space<vmem_shared>>) target_semaphore(%run_scoped3A : memref<!tpu.dma_semaphore, #tpu.memory_space<semaphore_mem>>)
      %dma_wait3A_83 = arith.constant 0 : i32
      %dma_wait3A_84 = tpu.memref_slice %arg10[%add3A_25, %dma_wait3A_83] : memref<10000x128xf32, #tpu.memory_space<vmem_shared>> -> memref<128x128xf32, #tpu.memory_space<vmem_shared>>
      %dma_wait3A_85 = arith.constant 0 : i32
      %dma_wait3A_86 = tpu.memref_slice %arg10[%add3A_25, %dma_wait3A_85] : memref<10000x128xf32, #tpu.memory_space<vmem_shared>> -> memref<128x128xf32, #tpu.memory_space<vmem_shared>>
      tpu.wait_dma2 semaphore(%run_scoped3A : memref<!tpu.dma_semaphore, #tpu.memory_space<semaphore_mem>>) src(%arg9 : memref<128x128xf32, #tpu.memory_space<vmem>>) dst(%dma_wait3A_86 : memref<128x128xf32, #tpu.memory_space<vmem_shared>>)
      tpu.yield
    }) : () -> ()
    %add3A_26 = arith.constant 384 : i32
    %add3A_27 = arith.addi %mul3A_19, %add3A_26 : i32
    "tpu.region"() ({
      %run_scoped3A = tpu.sem_alloc : memref<!tpu.dma_semaphore, #tpu.memory_space<semaphore_mem>>
      %dma_start3A_79 = arith.constant 0 : i32
      %dma_start3A_80 = tpu.memref_slice %arg10[%add3A_27, %dma_start3A_79] : memref<10000x128xf32, #tpu.memory_space<vmem_shared>> -> memref<128x128xf32, #tpu.memory_space<vmem_shared>>
      %dma_start3A_81 = arith.constant 0 : i32
      %dma_start3A_82 = tpu.memref_slice %arg10[%add3A_27, %dma_start3A_81] : memref<10000x128xf32, #tpu.memory_space<vmem_shared>> -> memref<128x128xf32, #tpu.memory_space<vmem_shared>>
      tpu.enqueue_dma source(%arg9 : memref<128x128xf32, #tpu.memory_space<vmem>>) target(%dma_start3A_82 : memref<128x128xf32, #tpu.memory_space<vmem_shared>>) target_semaphore(%run_scoped3A : memref<!tpu.dma_semaphore, #tpu.memory_space<semaphore_mem>>)
      %dma_wait3A_83 = arith.constant 0 : i32
      %dma_wait3A_84 = tpu.memref_slice %arg10[%add3A_27, %dma_wait3A_83] : memref<10000x128xf32, #tpu.memory_space<vmem_shared>> -> memref<128x128xf32, #tpu.memory_space<vmem_shared>>
      %dma_wait3A_85 = arith.constant 0 : i32
      %dma_wait3A_86 = tpu.memref_slice %arg10[%add3A_27, %dma_wait3A_85] : memref<10000x128xf32, #tpu.memory_space<vmem_shared>> -> memref<128x128xf32, #tpu.memory_space<vmem_shared>>
      tpu.wait_dma2 semaphore(%run_scoped3A : memref<!tpu.dma_semaphore, #tpu.memory_space<semaphore_mem>>) src(%arg9 : memref<128x128xf32, #tpu.memory_space<vmem>>) dst(%dma_wait3A_86 : memref<128x128xf32, #tpu.memory_space<vmem_shared>>)
      tpu.yield
    }) : () -> ()
    %add3A_28 = arith.constant 512 : i32
    %add3A_29 = arith.addi %mul3A_19, %add3A_28 : i32
    "tpu.region"() ({
      %run_scoped3A = tpu.sem_alloc : memref<!tpu.dma_semaphore, #tpu.memory_space<semaphore_mem>>
      %dma_start3A_79 = arith.constant 0 : i32
      %dma_start3A_80 = arith.constant 0 : i32
      %dma_start3A_81 = tpu.memref_slice %arg9[%dma_start3A_79, %dma_start3A_80] : memref<128x128xf32, #tpu.memory_space<vmem>> -> memref<113x128xf32, #tpu.memory_space<vmem>>
      %dma_start3A_82 = arith.constant 0 : i32
      %dma_start3A_83 = tpu.memref_slice %arg10[%add3A_29, %dma_start3A_82] : memref<10000x128xf32, #tpu.memory_space<vmem_shared>> -> memref<113x128xf32, #tpu.memory_space<vmem_shared>>
      %dma_start3A_84 = arith.constant 0 : i32
      %dma_start3A_85 = tpu.memref_slice %arg10[%add3A_29, %dma_start3A_84] : memref<10000x128xf32, #tpu.memory_space<vmem_shared>> -> memref<113x128xf32, #tpu.memory_space<vmem_shared>>
      %dma_start3A_86 = arith.constant 0 : i32
      %dma_start3A_87 = arith.constant 0 : i32
      %dma_start3A_88 = tpu.memref_slice %arg9[%dma_start3A_86, %dma_start3A_87] : memref<128x128xf32, #tpu.memory_space<vmem>> -> memref<113x128xf32, #tpu.memory_space<vmem>>
      tpu.enqueue_dma source(%dma_start3A_88 : memref<113x128xf32, #tpu.memory_space<vmem>>) target(%dma_start3A_85 : memref<113x128xf32, #tpu.memory_space<vmem_shared>>) target_semaphore(%run_scoped3A : memref<!tpu.dma_semaphore, #tpu.memory_space<semaphore_mem>>)
      %dma_wait3A_89 = arith.constant 0 : i32
      %dma_wait3A_90 = arith.constant 0 : i32
      %dma_wait3A_91 = tpu.memref_slice %arg9[%dma_wait3A_89, %dma_wait3A_90] : memref<128x128xf32, #tpu.memory_space<vmem>> -> memref<113x128xf32, #tpu.memory_space<vmem>>
      %dma_wait3A_92 = arith.constant 0 : i32
      %dma_wait3A_93 = tpu.memref_slice %arg10[%add3A_29, %dma_wait3A_92] : memref<10000x128xf32, #tpu.memory_space<vmem_shared>> -> memref<113x128xf32, #tpu.memory_space<vmem_shared>>
      %dma_wait3A_94 = arith.constant 0 : i32
      %dma_wait3A_95 = tpu.memref_slice %arg10[%add3A_29, %dma_wait3A_94] : memref<10000x128xf32, #tpu.memory_space<vmem_shared>> -> memref<113x128xf32, #tpu.memory_space<vmem_shared>>
      %dma_wait3A_96 = arith.constant 0 : i32
      %dma_wait3A_97 = arith.constant 0 : i32
      %dma_wait3A_98 = tpu.memref_slice %arg9[%dma_wait3A_96, %dma_wait3A_97] : memref<128x128xf32, #tpu.memory_space<vmem>> -> memref<113x128xf32, #tpu.memory_space<vmem>>
      tpu.wait_dma2 semaphore(%run_scoped3A : memref<!tpu.dma_semaphore, #tpu.memory_space<semaphore_mem>>) src(%dma_wait3A_98 : memref<113x128xf32, #tpu.memory_space<vmem>>) dst(%dma_wait3A_95 : memref<113x128xf32, #tpu.memory_space<vmem_shared>>)
      tpu.yield
    }) : () -> ()
    %dma_wait3A = arith.constant 0 : i32
    %dma_wait3A_30 = tpu.memref_slice %arg3[%dma_wait3A, %add3A] : memref<2x160000xi32, #tpu.memory_space<hbm>> -> memref<1x5000xi32, #tpu.memory_space<hbm>>
    %dma_wait3A_31 = tpu.memref_squeeze %dma_wait3A_30 : memref<1x5000xi32, #tpu.memory_space<hbm>> -> memref<5000xi32, #tpu.memory_space<hbm>>
    %dma_wait3A_32 = tpu.memref_slice %arg3[%dma_wait3A, %add3A] : memref<2x160000xi32, #tpu.memory_space<hbm>> -> memref<1x5000xi32, #tpu.memory_space<hbm>>
    %dma_wait3A_33 = tpu.memref_squeeze %dma_wait3A_32 : memref<1x5000xi32, #tpu.memory_space<hbm>> -> memref<5000xi32, #tpu.memory_space<hbm>>
    tpu.wait_dma2 semaphore(%arg11 : memref<!tpu.dma_semaphore, #tpu.memory_space<semaphore_mem>>) src(%dma_wait3A_33 : memref<5000xi32, #tpu.memory_space<hbm>>) dst(%arg6 : memref<5000xi32, #tpu.memory_space<vmem>>)
    %dma_wait3A_34 = arith.constant 1 : i32
    %dma_wait3A_35 = tpu.memref_slice %arg3[%dma_wait3A_34, %add3A] : memref<2x160000xi32, #tpu.memory_space<hbm>> -> memref<1x5000xi32, #tpu.memory_space<hbm>>
    %dma_wait3A_36 = tpu.memref_squeeze %dma_wait3A_35 : memref<1x5000xi32, #tpu.memory_space<hbm>> -> memref<5000xi32, #tpu.memory_space<hbm>>
    %dma_wait3A_37 = tpu.memref_slice %arg3[%dma_wait3A_34, %add3A] : memref<2x160000xi32, #tpu.memory_space<hbm>> -> memref<1x5000xi32, #tpu.memory_space<hbm>>
    %dma_wait3A_38 = tpu.memref_squeeze %dma_wait3A_37 : memref<1x5000xi32, #tpu.memory_space<hbm>> -> memref<5000xi32, #tpu.memory_space<hbm>>
    tpu.wait_dma2 semaphore(%arg12 : memref<!tpu.dma_semaphore, #tpu.memory_space<semaphore_mem>>) src(%dma_wait3A_38 : memref<5000xi32, #tpu.memory_space<hbm>>) dst(%arg7 : memref<5000xi32, #tpu.memory_space<vmem>>)
    %dma_start3A_39 = arith.constant 0 : i32
    %dma_start3A_40 = tpu.memref_slice %arg6[%dma_start3A_39] : memref<5000xi32, #tpu.memory_space<vmem>> -> memref<128xi32, #tpu.memory_space<vmem>>
    %dma_start3A_41 = arith.constant 0 : i32
    %dma_start3A_42 = arith.constant 0 : i32
    %dma_start3A_43 = tpu.memref_slice %arg2[%dma_start3A_41, %dma_start3A_42] : memref<10000x128xf32, #tpu.memory_space<hbm>> -> memref<10000x128xf32, #tpu.memory_space<hbm>>
    tpu.enqueue_indirect_dma source(%dma_start3A_43 : memref<10000x128xf32, #tpu.memory_space<hbm>>) target(%arg8 : memref<128x128xf32, #tpu.memory_space<vmem>>) offsets(%dma_start3A_40 : memref<128xi32, #tpu.memory_space<vmem>>) semaphore(%arg11 : memref<!tpu.dma_semaphore, #tpu.memory_space<semaphore_mem>>)
    %barrier3A = arith.constant 0 : index
    tpu.barrier barrier_id(%barrier3A)
    %scan3A_44 = arith.constant 0 : i32
    %scan3A_45 = arith.constant 0 : i32
    %scan3A_46 = arith.constant 19 : i32
    %scan3A_47 = arith.addi %scan3A_45, %scan3A_46 : i32
    %scan3A_48 = arith.constant 1 : i32
    scf.for %scan3A_79 = %scan3A_45 to %scan3A_47 step %scan3A_48  : i32 {
      %mul3A_80 = arith.constant 2 : i32
      %mul3A_81 = arith.muli %mul3A_80, %scan3A_79 : i32
      %mul3A_82 = arith.constant 128 : i32
      %mul3A_83 = arith.muli %mul3A_81, %mul3A_82 : i32
      %add3A_84 = arith.constant 128 : i32
      %add3A_85 = arith.addi %mul3A_83, %add3A_84 : i32
      %dma_start3A_86 = tpu.memref_slice %arg6[%add3A_85] : memref<5000xi32, #tpu.memory_space<vmem>> -> memref<128xi32, #tpu.memory_space<vmem>>
      %dma_start3A_87 = arith.constant 0 : i32
      %dma_start3A_88 = arith.constant 0 : i32
      %dma_start3A_89 = tpu.memref_slice %arg2[%dma_start3A_87, %dma_start3A_88] : memref<10000x128xf32, #tpu.memory_space<hbm>> -> memref<10000x128xf32, #tpu.memory_space<hbm>>
      tpu.enqueue_indirect_dma source(%dma_start3A_89 : memref<10000x128xf32, #tpu.memory_space<hbm>>) target(%arg9 : memref<128x128xf32, #tpu.memory_space<vmem>>) offsets(%dma_start3A_86 : memref<128xi32, #tpu.memory_space<vmem>>) semaphore(%arg12 : memref<!tpu.dma_semaphore, #tpu.memory_space<semaphore_mem>>)
      %dma_wait3A_90 = tpu.memref_slice %arg6[%mul3A_83] : memref<5000xi32, #tpu.memory_space<vmem>> -> memref<128xi32, #tpu.memory_space<vmem>>
      %dma_wait3A_91 = arith.constant 0 : i32
      %dma_wait3A_92 = arith.constant 0 : i32
      %dma_wait3A_93 = tpu.memref_slice %arg2[%dma_wait3A_91, %dma_wait3A_92] : memref<10000x128xf32, #tpu.memory_space<hbm>> -> memref<10000x128xf32, #tpu.memory_space<hbm>>
      tpu.wait_indirect_dma semaphore(%arg11 : memref<!tpu.dma_semaphore, #tpu.memory_space<semaphore_mem>>) src(%dma_wait3A_93 : memref<10000x128xf32, #tpu.memory_space<hbm>>) dst(%arg8 : memref<128x128xf32, #tpu.memory_space<vmem>>)
      "tpu.region"() ({
        %run_scoped3A = tpu.sem_alloc : memref<!tpu.dma_semaphore, #tpu.memory_space<semaphore_mem>>
        %dma_start3A_110 = tpu.memref_slice %arg7[%mul3A_83] : memref<5000xi32, #tpu.memory_space<vmem>> -> memref<128xi32, #tpu.memory_space<vmem>>
        %dma_start3A_111 = arith.constant 0 : i32
        %dma_start3A_112 = arith.constant 0 : i32
        %dma_start3A_113 = tpu.memref_slice %arg10[%dma_start3A_111, %dma_start3A_112] : memref<10000x128xf32, #tpu.memory_space<vmem_shared>> -> memref<10000x128xf32, #tpu.memory_space<vmem_shared>>
        tpu.enqueue_indirect_dma source(%arg8 : memref<128x128xf32, #tpu.memory_space<vmem>>) target(%dma_start3A_113 : memref<10000x128xf32, #tpu.memory_space<vmem_shared>>) offsets(%dma_start3A_110 : memref<128xi32, #tpu.memory_space<vmem>>) semaphore(%run_scoped3A : memref<!tpu.dma_semaphore, #tpu.memory_space<semaphore_mem>>) {add = true}
        %dma_wait3A_114 = tpu.memref_slice %arg7[%mul3A_83] : memref<5000xi32, #tpu.memory_space<vmem>> -> memref<128xi32, #tpu.memory_space<vmem>>
        %dma_wait3A_115 = arith.constant 0 : i32
        %dma_wait3A_116 = arith.constant 0 : i32
        %dma_wait3A_117 = tpu.memref_slice %arg10[%dma_wait3A_115, %dma_wait3A_116] : memref<10000x128xf32, #tpu.memory_space<vmem_shared>> -> memref<10000x128xf32, #tpu.memory_space<vmem_shared>>
        tpu.wait_indirect_dma semaphore(%run_scoped3A : memref<!tpu.dma_semaphore, #tpu.memory_space<semaphore_mem>>) src(%arg8 : memref<128x128xf32, #tpu.memory_space<vmem>>) dst(%dma_wait3A_117 : memref<10000x128xf32, #tpu.memory_space<vmem_shared>>)
        tpu.yield
      }) : () -> ()
      %mul3A_94 = arith.constant 2 : i32
      %mul3A_95 = arith.muli %mul3A_94, %scan3A_79 : i32
      %add3A_96 = arith.constant 2 : i32
      %add3A_97 = arith.addi %mul3A_95, %add3A_96 : i32
      %lt3A = arith.constant 39 : i32
      %lt3A_98 = arith.cmpi slt, %add3A_97, %lt3A : i32
      %convert_element_type3A_99 = arith.extui %lt3A_98 : i1 to i32
      %cond3A_100 = arith.constant 0 : i32
      %cond3A_101 = arith.cmpi ne, %convert_element_type3A_99, %cond3A_100 : i32
      scf.if %cond3A_101 {
        %add3A_110 = arith.constant 256 : i32
        %add3A_111 = arith.addi %mul3A_83, %add3A_110 : i32
        %dma_start3A_112 = tpu.memref_slice %arg6[%add3A_111] : memref<5000xi32, #tpu.memory_space<vmem>> -> memref<128xi32, #tpu.memory_space<vmem>>
        %dma_start3A_113 = arith.constant 0 : i32
        %dma_start3A_114 = arith.constant 0 : i32
        %dma_start3A_115 = tpu.memref_slice %arg2[%dma_start3A_113, %dma_start3A_114] : memref<10000x128xf32, #tpu.memory_space<hbm>> -> memref<10000x128xf32, #tpu.memory_space<hbm>>
        tpu.enqueue_indirect_dma source(%dma_start3A_115 : memref<10000x128xf32, #tpu.memory_space<hbm>>) target(%arg8 : memref<128x128xf32, #tpu.memory_space<vmem>>) offsets(%dma_start3A_112 : memref<128xi32, #tpu.memory_space<vmem>>) semaphore(%arg11 : memref<!tpu.dma_semaphore, #tpu.memory_space<semaphore_mem>>)
      } else {
      }
      %add3A_102 = arith.constant 128 : i32
      %add3A_103 = arith.addi %mul3A_83, %add3A_102 : i32
      %dma_wait3A_104 = tpu.memref_slice %arg6[%add3A_103] : memref<5000xi32, #tpu.memory_space<vmem>> -> memref<128xi32, #tpu.memory_space<vmem>>
      %dma_wait3A_105 = arith.constant 0 : i32
      %dma_wait3A_106 = arith.constant 0 : i32
      %dma_wait3A_107 = tpu.memref_slice %arg2[%dma_wait3A_105, %dma_wait3A_106] : memref<10000x128xf32, #tpu.memory_space<hbm>> -> memref<10000x128xf32, #tpu.memory_space<hbm>>
      tpu.wait_indirect_dma semaphore(%arg12 : memref<!tpu.dma_semaphore, #tpu.memory_space<semaphore_mem>>) src(%dma_wait3A_107 : memref<10000x128xf32, #tpu.memory_space<hbm>>) dst(%arg9 : memref<128x128xf32, #tpu.memory_space<vmem>>)
      %add3A_108 = arith.constant 128 : i32
      %add3A_109 = arith.addi %mul3A_83, %add3A_108 : i32
      "tpu.region"() ({
        %run_scoped3A = tpu.sem_alloc : memref<!tpu.dma_semaphore, #tpu.memory_space<semaphore_mem>>
        %dma_start3A_110 = tpu.memref_slice %arg7[%add3A_109] : memref<5000xi32, #tpu.memory_space<vmem>> -> memref<128xi32, #tpu.memory_space<vmem>>
        %dma_start3A_111 = arith.constant 0 : i32
        %dma_start3A_112 = arith.constant 0 : i32
        %dma_start3A_113 = tpu.memref_slice %arg10[%dma_start3A_111, %dma_start3A_112] : memref<10000x128xf32, #tpu.memory_space<vmem_shared>> -> memref<10000x128xf32, #tpu.memory_space<vmem_shared>>
        tpu.enqueue_indirect_dma source(%arg9 : memref<128x128xf32, #tpu.memory_space<vmem>>) target(%dma_start3A_113 : memref<10000x128xf32, #tpu.memory_space<vmem_shared>>) offsets(%dma_start3A_110 : memref<128xi32, #tpu.memory_space<vmem>>) semaphore(%run_scoped3A : memref<!tpu.dma_semaphore, #tpu.memory_space<semaphore_mem>>) {add = true}
        %dma_wait3A_114 = tpu.memref_slice %arg7[%add3A_109] : memref<5000xi32, #tpu.memory_space<vmem>> -> memref<128xi32, #tpu.memory_space<vmem>>
        %dma_wait3A_115 = arith.constant 0 : i32
        %dma_wait3A_116 = arith.constant 0 : i32
        %dma_wait3A_117 = tpu.memref_slice %arg10[%dma_wait3A_115, %dma_wait3A_116] : memref<10000x128xf32, #tpu.memory_space<vmem_shared>> -> memref<10000x128xf32, #tpu.memory_space<vmem_shared>>
        tpu.wait_indirect_dma semaphore(%run_scoped3A : memref<!tpu.dma_semaphore, #tpu.memory_space<semaphore_mem>>) src(%arg9 : memref<128x128xf32, #tpu.memory_space<vmem>>) dst(%dma_wait3A_117 : memref<10000x128xf32, #tpu.memory_space<vmem_shared>>)
        tpu.yield
      }) : () -> ()
    }
    %scan3A_49 = arith.constant 19 : i32
    %dma_wait3A_50 = arith.constant 4864 : i32
    %dma_wait3A_51 = tpu.memref_slice %arg6[%dma_wait3A_50] : memref<5000xi32, #tpu.memory_space<vmem>> -> memref<128xi32, #tpu.memory_space<vmem>>
    %dma_wait3A_52 = arith.constant 0 : i32
    %dma_wait3A_53 = arith.constant 0 : i32
    %dma_wait3A_54 = tpu.memref_slice %arg2[%dma_wait3A_52, %dma_wait3A_53] : memref<10000x128xf32, #tpu.memory_space<hbm>> -> memref<10000x128xf32, #tpu.memory_space<hbm>>
    tpu.wait_indirect_dma semaphore(%arg11 : memref<!tpu.dma_semaphore, #tpu.memory_space<semaphore_mem>>) src(%dma_wait3A_54 : memref<10000x128xf32, #tpu.memory_space<hbm>>) dst(%arg8 : memref<128x128xf32, #tpu.memory_space<vmem>>)
    "tpu.region"() ({
      %run_scoped3A = tpu.sem_alloc : memref<!tpu.dma_semaphore, #tpu.memory_space<semaphore_mem>>
      %dma_start3A_79 = arith.constant 4864 : i32
      %dma_start3A_80 = tpu.memref_slice %arg7[%dma_start3A_79] : memref<5000xi32, #tpu.memory_space<vmem>> -> memref<128xi32, #tpu.memory_space<vmem>>
      %dma_start3A_81 = arith.constant 0 : i32
      %dma_start3A_82 = arith.constant 0 : i32
      %dma_start3A_83 = tpu.memref_slice %arg10[%dma_start3A_81, %dma_start3A_82] : memref<10000x128xf32, #tpu.memory_space<vmem_shared>> -> memref<10000x128xf32, #tpu.memory_space<vmem_shared>>
      tpu.enqueue_indirect_dma source(%arg8 : memref<128x128xf32, #tpu.memory_space<vmem>>) target(%dma_start3A_83 : memref<10000x128xf32, #tpu.memory_space<vmem_shared>>) offsets(%dma_start3A_80 : memref<128xi32, #tpu.memory_space<vmem>>) semaphore(%run_scoped3A : memref<!tpu.dma_semaphore, #tpu.memory_space<semaphore_mem>>) {add = true}
      %dma_wait3A_84 = arith.constant 4864 : i32
      %dma_wait3A_85 = tpu.memref_slice %arg7[%dma_wait3A_84] : memref<5000xi32, #tpu.memory_space<vmem>> -> memref<128xi32, #tpu.memory_space<vmem>>
      %dma_wait3A_86 = arith.constant 0 : i32
      %dma_wait3A_87 = arith.constant 0 : i32
      %dma_wait3A_88 = tpu.memref_slice %arg10[%dma_wait3A_86, %dma_wait3A_87] : memref<10000x128xf32, #tpu.memory_space<vmem_shared>> -> memref<10000x128xf32, #tpu.memory_space<vmem_shared>>
      tpu.wait_indirect_dma semaphore(%run_scoped3A : memref<!tpu.dma_semaphore, #tpu.memory_space<semaphore_mem>>) src(%arg8 : memref<128x128xf32, #tpu.memory_space<vmem>>) dst(%dma_wait3A_88 : memref<10000x128xf32, #tpu.memory_space<vmem_shared>>)
      tpu.yield
    }) : () -> ()
    %dma_start3A_55 = arith.constant 0 : i32
    %dma_start3A_56 = arith.constant 0 : i32
    %dma_start3A_57 = tpu.memref_slice %arg9[%dma_start3A_55, %dma_start3A_56] : memref<128x128xf32, #tpu.memory_space<vmem>> -> memref<8x128xf32, #tpu.memory_space<vmem>>
    %dma_start3A_58 = arith.constant 4992 : i32
    %dma_start3A_59 = tpu.memref_slice %arg6[%dma_start3A_58] : memref<5000xi32, #tpu.memory_space<vmem>> -> memref<8xi32, #tpu.memory_space<vmem>>
    %dma_start3A_60 = arith.constant 0 : i32
    %dma_start3A_61 = arith.constant 0 : i32
    %dma_start3A_62 = tpu.memref_slice %arg2[%dma_start3A_60, %dma_start3A_61] : memref<10000x128xf32, #tpu.memory_space<hbm>> -> memref<10000x128xf32, #tpu.memory_space<hbm>>
    tpu.enqueue_indirect_dma source(%dma_start3A_62 : memref<10000x128xf32, #tpu.memory_space<hbm>>) target(%dma_start3A_57 : memref<8x128xf32, #tpu.memory_space<vmem>>) offsets(%dma_start3A_59 : memref<8xi32, #tpu.memory_space<vmem>>) semaphore(%arg12 : memref<!tpu.dma_semaphore, #tpu.memory_space<semaphore_mem>>)
    %dma_wait3A_63 = arith.constant 0 : i32
    %dma_wait3A_64 = arith.constant 0 : i32
    %dma_wait3A_65 = tpu.memref_slice %arg9[%dma_wait3A_63, %dma_wait3A_64] : memref<128x128xf32, #tpu.memory_space<vmem>> -> memref<8x128xf32, #tpu.memory_space<vmem>>
    %dma_wait3A_66 = arith.constant 4992 : i32
    %dma_wait3A_67 = tpu.memref_slice %arg6[%dma_wait3A_66] : memref<5000xi32, #tpu.memory_space<vmem>> -> memref<8xi32, #tpu.memory_space<vmem>>
    %dma_wait3A_68 = arith.constant 0 : i32
    %dma_wait3A_69 = arith.constant 0 : i32
    %dma_wait3A_70 = tpu.memref_slice %arg2[%dma_wait3A_68, %dma_wait3A_69] : memref<10000x128xf32, #tpu.memory_space<hbm>> -> memref<10000x128xf32, #tpu.memory_space<hbm>>
    tpu.wait_indirect_dma semaphore(%arg12 : memref<!tpu.dma_semaphore, #tpu.memory_space<semaphore_mem>>) src(%dma_wait3A_70 : memref<10000x128xf32, #tpu.memory_space<hbm>>) dst(%dma_wait3A_65 : memref<8x128xf32, #tpu.memory_space<vmem>>)
    "tpu.region"() ({
      %run_scoped3A = tpu.sem_alloc : memref<!tpu.dma_semaphore, #tpu.memory_space<semaphore_mem>>
      %dma_start3A_79 = arith.constant 0 : i32
      %dma_start3A_80 = arith.constant 0 : i32
      %dma_start3A_81 = tpu.memref_slice %arg9[%dma_start3A_79, %dma_start3A_80] : memref<128x128xf32, #tpu.memory_space<vmem>> -> memref<8x128xf32, #tpu.memory_space<vmem>>
      %dma_start3A_82 = arith.constant 4992 : i32
      %dma_start3A_83 = tpu.memref_slice %arg7[%dma_start3A_82] : memref<5000xi32, #tpu.memory_space<vmem>> -> memref<8xi32, #tpu.memory_space<vmem>>
      %dma_start3A_84 = arith.constant 0 : i32
      %dma_start3A_85 = arith.constant 0 : i32
      %dma_start3A_86 = tpu.memref_slice %arg10[%dma_start3A_84, %dma_start3A_85] : memref<10000x128xf32, #tpu.memory_space<vmem_shared>> -> memref<10000x128xf32, #tpu.memory_space<vmem_shared>>
      tpu.enqueue_indirect_dma source(%dma_start3A_81 : memref<8x128xf32, #tpu.memory_space<vmem>>) target(%dma_start3A_86 : memref<10000x128xf32, #tpu.memory_space<vmem_shared>>) offsets(%dma_start3A_83 : memref<8xi32, #tpu.memory_space<vmem>>) semaphore(%run_scoped3A : memref<!tpu.dma_semaphore, #tpu.memory_space<semaphore_mem>>) {add = true}
      %dma_wait3A_87 = arith.constant 0 : i32
      %dma_wait3A_88 = arith.constant 0 : i32
      %dma_wait3A_89 = tpu.memref_slice %arg9[%dma_wait3A_87, %dma_wait3A_88] : memref<128x128xf32, #tpu.memory_space<vmem>> -> memref<8x128xf32, #tpu.memory_space<vmem>>
      %dma_wait3A_90 = arith.constant 4992 : i32
      %dma_wait3A_91 = tpu.memref_slice %arg7[%dma_wait3A_90] : memref<5000xi32, #tpu.memory_space<vmem>> -> memref<8xi32, #tpu.memory_space<vmem>>
      %dma_wait3A_92 = arith.constant 0 : i32
      %dma_wait3A_93 = arith.constant 0 : i32
      %dma_wait3A_94 = tpu.memref_slice %arg10[%dma_wait3A_92, %dma_wait3A_93] : memref<10000x128xf32, #tpu.memory_space<vmem_shared>> -> memref<10000x128xf32, #tpu.memory_space<vmem_shared>>
      tpu.wait_indirect_dma semaphore(%run_scoped3A : memref<!tpu.dma_semaphore, #tpu.memory_space<semaphore_mem>>) src(%dma_wait3A_89 : memref<8x128xf32, #tpu.memory_space<vmem>>) dst(%dma_wait3A_94 : memref<10000x128xf32, #tpu.memory_space<vmem_shared>>)
      tpu.yield
    }) : () -> ()
    %barrier3A_71 = arith.constant 0 : index
    tpu.barrier barrier_id(%barrier3A_71)
    %eq3A = arith.constant 0 : i32
    %eq3A_72 = arith.cmpi eq, %arg0, %eq3A : i32
    %convert_element_type3A = arith.extui %eq3A_72 : i1 to i32
    %cond3A = arith.constant 0 : i32
    %cond3A_73 = arith.cmpi ne, %convert_element_type3A, %cond3A : i32
    scf.if %cond3A_73 {
      "tpu.region"() ({
        %run_scoped3A = tpu.sem_alloc : memref<!tpu.dma_semaphore, #tpu.memory_space<semaphore_mem>>
        %dma_start3A_79 = arith.constant 0 : i32
        %dma_start3A_80 = tpu.memref_slice %arg4[%mul3A_19, %dma_start3A_79] : memref<10000x128xf32, #tpu.memory_space<hbm>> -> memref<625x128xf32, #tpu.memory_space<hbm>>
        %dma_start3A_81 = arith.constant 0 : i32
        %dma_start3A_82 = tpu.memref_slice %arg10[%mul3A_19, %dma_start3A_81] : memref<10000x128xf32, #tpu.memory_space<vmem_shared>> -> memref<625x128xf32, #tpu.memory_space<vmem_shared>>
        tpu.enqueue_dma source(%dma_start3A_82 : memref<625x128xf32, #tpu.memory_space<vmem_shared>>) target(%dma_start3A_80 : memref<625x128xf32, #tpu.memory_space<hbm>>) target_semaphore(%run_scoped3A : memref<!tpu.dma_semaphore, #tpu.memory_space<semaphore_mem>>)
        %dma_wait3A_83 = arith.constant 0 : i32
        %dma_wait3A_84 = tpu.memref_slice %arg4[%mul3A_19, %dma_wait3A_83] : memref<10000x128xf32, #tpu.memory_space<hbm>> -> memref<625x128xf32, #tpu.memory_space<hbm>>
        %dma_wait3A_85 = arith.constant 0 : i32
        %dma_wait3A_86 = tpu.memref_slice %arg10[%mul3A_19, %dma_wait3A_85] : memref<10000x128xf32, #tpu.memory_space<vmem_shared>> -> memref<625x128xf32, #tpu.memory_space<vmem_shared>>
        tpu.wait_dma2 semaphore(%run_scoped3A : memref<!tpu.dma_semaphore, #tpu.memory_space<semaphore_mem>>) src(%dma_wait3A_86 : memref<625x128xf32, #tpu.memory_space<vmem_shared>>) dst(%dma_wait3A_84 : memref<625x128xf32, #tpu.memory_space<hbm>>)
        tpu.yield
      }) : () -> ()
    } else {
    }
    %eq3A_74 = arith.constant 1 : i32
    %eq3A_75 = arith.cmpi eq, %arg0, %eq3A_74 : i32
    %convert_element_type3A_76 = arith.extui %eq3A_75 : i1 to i32
    %cond3A_77 = arith.constant 0 : i32
    %cond3A_78 = arith.cmpi ne, %convert_element_type3A_76, %cond3A_77 : i32
    scf.if %cond3A_78 {
      "tpu.region"() ({
        %run_scoped3A = tpu.sem_alloc : memref<!tpu.dma_semaphore, #tpu.memory_space<semaphore_mem>>
        %dma_start3A_79 = arith.constant 0 : i32
        %dma_start3A_80 = tpu.memref_slice %arg5[%mul3A_19, %dma_start3A_79] : memref<10000x128xf32, #tpu.memory_space<hbm>> -> memref<625x128xf32, #tpu.memory_space<hbm>>
        %dma_start3A_81 = arith.constant 0 : i32
        %dma_start3A_82 = tpu.memref_slice %arg10[%mul3A_19, %dma_start3A_81] : memref<10000x128xf32, #tpu.memory_space<vmem_shared>> -> memref<625x128xf32, #tpu.memory_space<vmem_shared>>
        tpu.enqueue_dma source(%dma_start3A_82 : memref<625x128xf32, #tpu.memory_space<vmem_shared>>) target(%dma_start3A_80 : memref<625x128xf32, #tpu.memory_space<hbm>>) target_semaphore(%run_scoped3A : memref<!tpu.dma_semaphore, #tpu.memory_space<semaphore_mem>>)
        %dma_wait3A_83 = arith.constant 0 : i32
        %dma_wait3A_84 = tpu.memref_slice %arg5[%mul3A_19, %dma_wait3A_83] : memref<10000x128xf32, #tpu.memory_space<hbm>> -> memref<625x128xf32, #tpu.memory_space<hbm>>
        %dma_wait3A_85 = arith.constant 0 : i32
        %dma_wait3A_86 = tpu.memref_slice %arg10[%mul3A_19, %dma_wait3A_85] : memref<10000x128xf32, #tpu.memory_space<vmem_shared>> -> memref<625x128xf32, #tpu.memory_space<vmem_shared>>
        tpu.wait_dma2 semaphore(%run_scoped3A : memref<!tpu.dma_semaphore, #tpu.memory_space<semaphore_mem>>) src(%dma_wait3A_86 : memref<625x128xf32, #tpu.memory_space<vmem_shared>>) dst(%dma_wait3A_84 : memref<625x128xf32, #tpu.memory_space<hbm>>)
        tpu.yield
      }) : () -> ()
    } else {
    }
    return
  }
}

#map = affine_map<(d0, d1) -> (0, 0)>
module attributes {stable_mosaic.version = 14 : i64} {
  func.func @sc_count(%arg0: i32, %arg1: i32, %arg2: memref<2x160000xi32, #tpu.memory_space<hbm>>, %arg3: memref<10000x16xf32, #tpu.memory_space<hbm>>, %arg4: memref<10000x16xf32, #tpu.memory_space<hbm>>, %arg5: memref<1000xi32, #tpu.memory_space<vmem>>, %arg6: memref<1000x16xf32, #tpu.memory_space<vmem>>, %arg7: memref<10000x16xf32, #tpu.memory_space<vmem_shared>>) attributes {dimension_semantics = [#tpu.dimension_semantics<core_parallel>, #tpu.dimension_semantics<subcore_parallel>], iteration_bounds = array<i64: 2, 16>, scalar_prefetch = 0 : i64, scratch_operands = 3 : i64, tpu.core_type = #tpu.core_type<sc_vector_subcore>, window_params = [{transform_indices = #map}, {transform_indices = #map}, {transform_indices = #map}]} {
    %broadcast_in_dim3A = arith.constant 0.000000e+00 : f32
    %broadcast_in_dim3A_0 = vector.broadcast %broadcast_in_dim3A : f32 to vector<16xf32>
    %scan3A = arith.constant 0 : i32
    %scan3A_1 = arith.constant 0 : i32
    %scan3A_2 = arith.constant 1000 : i32
    %scan3A_3 = arith.addi %scan3A_1, %scan3A_2 : i32
    %scan3A_4 = arith.constant 1 : i32
    scf.for %scan3A_35 = %scan3A_1 to %scan3A_3 step %scan3A_4  : i32 {
      %swap3A = arith.index_cast %scan3A_35 : i32 to index
      %swap3A_36 = arith.constant 0 : index
      %swap3A_37 = tpu.vector_load %arg6[%swap3A, %swap3A_36] {strides = array<i32>} : memref<1000x16xf32, #tpu.memory_space<vmem>>, vector<1x16xf32>,
      %swap3A_38 = vector.shape_cast %swap3A_37 : vector<1x16xf32> to vector<16xf32>
      %swap3A_39 = vector.shape_cast %broadcast_in_dim3A_0 : vector<16xf32> to vector<1x16xf32>
      tpu.vector_store %arg6[%swap3A, %swap3A_36], %swap3A_39 {strides = array<i32>} : memref<1000x16xf32, #tpu.memory_space<vmem>>, vector<1x16xf32>,
    }
    %scan3A_5 = arith.constant 1000 : i32
    %mul3A = arith.constant 625 : i32
    %mul3A_6 = arith.muli %arg1, %mul3A : i32
    %add3A = arith.constant 0 : i32
    %add3A_7 = arith.addi %mul3A_6, %add3A : i32
    "tpu.region"() ({
      %run_scoped3A = tpu.sem_alloc : memref<!tpu.dma_semaphore, #tpu.memory_space<semaphore_mem>>
      %dma_start3A = arith.constant 0 : i32
      %dma_start3A_35 = arith.constant 0 : i32
      %dma_start3A_36 = tpu.memref_slice %arg6[%dma_start3A, %dma_start3A_35] : memref<1000x16xf32, #tpu.memory_space<vmem>> -> memref<625x16xf32, #tpu.memory_space<vmem>>
      %dma_start3A_37 = arith.constant 0 : i32
      %dma_start3A_38 = tpu.memref_slice %arg7[%add3A_7, %dma_start3A_37] : memref<10000x16xf32, #tpu.memory_space<vmem_shared>> -> memref<625x16xf32, #tpu.memory_space<vmem_shared>>
      %dma_start3A_39 = arith.constant 0 : i32
      %dma_start3A_40 = tpu.memref_slice %arg7[%add3A_7, %dma_start3A_39] : memref<10000x16xf32, #tpu.memory_space<vmem_shared>> -> memref<625x16xf32, #tpu.memory_space<vmem_shared>>
      %dma_start3A_41 = arith.constant 0 : i32
      %dma_start3A_42 = arith.constant 0 : i32
      %dma_start3A_43 = tpu.memref_slice %arg6[%dma_start3A_41, %dma_start3A_42] : memref<1000x16xf32, #tpu.memory_space<vmem>> -> memref<625x16xf32, #tpu.memory_space<vmem>>
      tpu.enqueue_dma source(%dma_start3A_43 : memref<625x16xf32, #tpu.memory_space<vmem>>) target(%dma_start3A_40 : memref<625x16xf32, #tpu.memory_space<vmem_shared>>) target_semaphore(%run_scoped3A : memref<!tpu.dma_semaphore, #tpu.memory_space<semaphore_mem>>)
      %dma_wait3A = arith.constant 0 : i32
      %dma_wait3A_44 = arith.constant 0 : i32
      %dma_wait3A_45 = tpu.memref_slice %arg6[%dma_wait3A, %dma_wait3A_44] : memref<1000x16xf32, #tpu.memory_space<vmem>> -> memref<625x16xf32, #tpu.memory_space<vmem>>
      %dma_wait3A_46 = arith.constant 0 : i32
      %dma_wait3A_47 = tpu.memref_slice %arg7[%add3A_7, %dma_wait3A_46] : memref<10000x16xf32, #tpu.memory_space<vmem_shared>> -> memref<625x16xf32, #tpu.memory_space<vmem_shared>>
      %dma_wait3A_48 = arith.constant 0 : i32
      %dma_wait3A_49 = tpu.memref_slice %arg7[%add3A_7, %dma_wait3A_48] : memref<10000x16xf32, #tpu.memory_space<vmem_shared>> -> memref<625x16xf32, #tpu.memory_space<vmem_shared>>
      %dma_wait3A_50 = arith.constant 0 : i32
      %dma_wait3A_51 = arith.constant 0 : i32
      %dma_wait3A_52 = tpu.memref_slice %arg6[%dma_wait3A_50, %dma_wait3A_51] : memref<1000x16xf32, #tpu.memory_space<vmem>> -> memref<625x16xf32, #tpu.memory_space<vmem>>
      tpu.wait_dma2 semaphore(%run_scoped3A : memref<!tpu.dma_semaphore, #tpu.memory_space<semaphore_mem>>) src(%dma_wait3A_52 : memref<625x16xf32, #tpu.memory_space<vmem>>) dst(%dma_wait3A_49 : memref<625x16xf32, #tpu.memory_space<vmem_shared>>)
      tpu.yield
    }) : () -> ()
    %broadcast_in_dim3A_8 = arith.constant 1.000000e+00 : f32
    %broadcast_in_dim3A_9 = vector.broadcast %broadcast_in_dim3A_8 : f32 to vector<16xf32>
    %scan3A_10 = arith.constant 0 : i32
    %scan3A_11 = arith.constant 0 : i32
    %scan3A_12 = arith.constant 1000 : i32
    %scan3A_13 = arith.addi %scan3A_11, %scan3A_12 : i32
    %scan3A_14 = arith.constant 1 : i32
    scf.for %scan3A_35 = %scan3A_11 to %scan3A_13 step %scan3A_14  : i32 {
      %swap3A = arith.index_cast %scan3A_35 : i32 to index
      %swap3A_36 = arith.constant 0 : index
      %swap3A_37 = tpu.vector_load %arg6[%swap3A, %swap3A_36] {strides = array<i32>} : memref<1000x16xf32, #tpu.memory_space<vmem>>, vector<1x16xf32>,
      %swap3A_38 = vector.shape_cast %swap3A_37 : vector<1x16xf32> to vector<16xf32>
      %swap3A_39 = vector.shape_cast %broadcast_in_dim3A_9 : vector<16xf32> to vector<1x16xf32>
      tpu.vector_store %arg6[%swap3A, %swap3A_36], %swap3A_39 {strides = array<i32>} : memref<1000x16xf32, #tpu.memory_space<vmem>>, vector<1x16xf32>,
    }
    %scan3A_15 = arith.constant 1000 : i32
    %barrier3A = arith.constant 0 : index
    tpu.barrier barrier_id(%barrier3A)
    %mul3A_16 = arith.constant 80000 : i32
    %mul3A_17 = arith.muli %arg0, %mul3A_16 : i32
    %mul3A_18 = arith.constant 5000 : i32
    %mul3A_19 = arith.muli %arg1, %mul3A_18 : i32
    %add3A_20 = arith.addi %mul3A_17, %mul3A_19 : i32
    %scan3A_21 = arith.constant 0 : i32
    %scan3A_22 = arith.constant 0 : i32
    %scan3A_23 = arith.constant 5 : i32
    %scan3A_24 = arith.addi %scan3A_22, %scan3A_23 : i32
    %scan3A_25 = arith.constant 1 : i32
    scf.for %scan3A_35 = %scan3A_22 to %scan3A_24 step %scan3A_25  : i32 {
      %mul3A_36 = arith.constant 1000 : i32
      %mul3A_37 = arith.muli %scan3A_35, %mul3A_36 : i32
      %add3A_38 = arith.addi %add3A_20, %mul3A_37 : i32
      %run_scoped3A = arith.constant 1 : i32
      "tpu.region"() ({
        %run_scoped3A_39 = tpu.sem_alloc : memref<!tpu.dma_semaphore, #tpu.memory_space<semaphore_mem>>
        %dma_start3A = tpu.memref_slice %arg2[%run_scoped3A, %add3A_38] : memref<2x160000xi32, #tpu.memory_space<hbm>> -> memref<1x1000xi32, #tpu.memory_space<hbm>>
        %dma_start3A_40 = tpu.memref_squeeze %dma_start3A : memref<1x1000xi32, #tpu.memory_space<hbm>> -> memref<1000xi32, #tpu.memory_space<hbm>>
        %dma_start3A_41 = tpu.memref_slice %arg2[%run_scoped3A, %add3A_38] : memref<2x160000xi32, #tpu.memory_space<hbm>> -> memref<1x1000xi32, #tpu.memory_space<hbm>>
        %dma_start3A_42 = tpu.memref_squeeze %dma_start3A_41 : memref<1x1000xi32, #tpu.memory_space<hbm>> -> memref<1000xi32, #tpu.memory_space<hbm>>
        tpu.enqueue_dma source(%dma_start3A_42 : memref<1000xi32, #tpu.memory_space<hbm>>) target(%arg5 : memref<1000xi32, #tpu.memory_space<vmem>>) target_semaphore(%run_scoped3A_39 : memref<!tpu.dma_semaphore, #tpu.memory_space<semaphore_mem>>)
        %dma_wait3A = tpu.memref_slice %arg2[%run_scoped3A, %add3A_38] : memref<2x160000xi32, #tpu.memory_space<hbm>> -> memref<1x1000xi32, #tpu.memory_space<hbm>>
        %dma_wait3A_43 = tpu.memref_squeeze %dma_wait3A : memref<1x1000xi32, #tpu.memory_space<hbm>> -> memref<1000xi32, #tpu.memory_space<hbm>>
        %dma_wait3A_44 = tpu.memref_slice %arg2[%run_scoped3A, %add3A_38] : memref<2x160000xi32, #tpu.memory_space<hbm>> -> memref<1x1000xi32, #tpu.memory_space<hbm>>
        %dma_wait3A_45 = tpu.memref_squeeze %dma_wait3A_44 : memref<1x1000xi32, #tpu.memory_space<hbm>> -> memref<1000xi32, #tpu.memory_space<hbm>>
        tpu.wait_dma2 semaphore(%run_scoped3A_39 : memref<!tpu.dma_semaphore, #tpu.memory_space<semaphore_mem>>) src(%dma_wait3A_45 : memref<1000xi32, #tpu.memory_space<hbm>>) dst(%arg5 : memref<1000xi32, #tpu.memory_space<vmem>>)
        tpu.yield
      }) : () -> ()
      "tpu.region"() ({
        %run_scoped3A_39 = tpu.sem_alloc : memref<!tpu.dma_semaphore, #tpu.memory_space<semaphore_mem>>
        %dma_start3A = arith.constant 0 : i32
        %dma_start3A_40 = arith.constant 0 : i32
        %dma_start3A_41 = tpu.memref_slice %arg7[%dma_start3A, %dma_start3A_40] : memref<10000x16xf32, #tpu.memory_space<vmem_shared>> -> memref<10000x16xf32, #tpu.memory_space<vmem_shared>>
        tpu.enqueue_indirect_dma source(%arg6 : memref<1000x16xf32, #tpu.memory_space<vmem>>) target(%dma_start3A_41 : memref<10000x16xf32, #tpu.memory_space<vmem_shared>>) offsets(%arg5 : memref<1000xi32, #tpu.memory_space<vmem>>) semaphore(%run_scoped3A_39 : memref<!tpu.dma_semaphore, #tpu.memory_space<semaphore_mem>>) {add = true}
        %dma_wait3A = arith.constant 0 : i32
        %dma_wait3A_42 = arith.constant 0 : i32
        %dma_wait3A_43 = tpu.memref_slice %arg7[%dma_wait3A, %dma_wait3A_42] : memref<10000x16xf32, #tpu.memory_space<vmem_shared>> -> memref<10000x16xf32, #tpu.memory_space<vmem_shared>>
        tpu.wait_indirect_dma semaphore(%run_scoped3A_39 : memref<!tpu.dma_semaphore, #tpu.memory_space<semaphore_mem>>) src(%arg6 : memref<1000x16xf32, #tpu.memory_space<vmem>>) dst(%dma_wait3A_43 : memref<10000x16xf32, #tpu.memory_space<vmem_shared>>)
        tpu.yield
      }) : () -> ()
    }
    %scan3A_26 = arith.constant 5 : i32
    %barrier3A_27 = arith.constant 0 : index
    tpu.barrier barrier_id(%barrier3A_27)
    %eq3A = arith.constant 0 : i32
    %eq3A_28 = arith.cmpi eq, %arg0, %eq3A : i32
    %convert_element_type3A = arith.extui %eq3A_28 : i1 to i32
    %cond3A = arith.constant 0 : i32
    %cond3A_29 = arith.cmpi ne, %convert_element_type3A, %cond3A : i32
    scf.if %cond3A_29 {
      "tpu.region"() ({
        %run_scoped3A = tpu.sem_alloc : memref<!tpu.dma_semaphore, #tpu.memory_space<semaphore_mem>>
        %dma_start3A = arith.constant 0 : i32
        %dma_start3A_35 = tpu.memref_slice %arg3[%mul3A_6, %dma_start3A] : memref<10000x16xf32, #tpu.memory_space<hbm>> -> memref<625x16xf32, #tpu.memory_space<hbm>>
        %dma_start3A_36 = arith.constant 0 : i32
        %dma_start3A_37 = tpu.memref_slice %arg7[%mul3A_6, %dma_start3A_36] : memref<10000x16xf32, #tpu.memory_space<vmem_shared>> -> memref<625x16xf32, #tpu.memory_space<vmem_shared>>
        tpu.enqueue_dma source(%dma_start3A_37 : memref<625x16xf32, #tpu.memory_space<vmem_shared>>) target(%dma_start3A_35 : memref<625x16xf32, #tpu.memory_space<hbm>>) target_semaphore(%run_scoped3A : memref<!tpu.dma_semaphore, #tpu.memory_space<semaphore_mem>>)
        %dma_wait3A = arith.constant 0 : i32
        %dma_wait3A_38 = tpu.memref_slice %arg3[%mul3A_6, %dma_wait3A] : memref<10000x16xf32, #tpu.memory_space<hbm>> -> memref<625x16xf32, #tpu.memory_space<hbm>>
        %dma_wait3A_39 = arith.constant 0 : i32
        %dma_wait3A_40 = tpu.memref_slice %arg7[%mul3A_6, %dma_wait3A_39] : memref<10000x16xf32, #tpu.memory_space<vmem_shared>> -> memref<625x16xf32, #tpu.memory_space<vmem_shared>>
        tpu.wait_dma2 semaphore(%run_scoped3A : memref<!tpu.dma_semaphore, #tpu.memory_space<semaphore_mem>>) src(%dma_wait3A_40 : memref<625x16xf32, #tpu.memory_space<vmem_shared>>) dst(%dma_wait3A_38 : memref<625x16xf32, #tpu.memory_space<hbm>>)
        tpu.yield
      }) : () -> ()
    } else {
    }
    %eq3A_30 = arith.constant 1 : i32
    %eq3A_31 = arith.cmpi eq, %arg0, %eq3A_30 : i32
    %convert_element_type3A_32 = arith.extui %eq3A_31 : i1 to i32
    %cond3A_33 = arith.constant 0 : i32
    %cond3A_34 = arith.cmpi ne, %convert_element_type3A_32, %cond3A_33 : i32
    scf.if %cond3A_34 {
      "tpu.region"() ({
        %run_scoped3A = tpu.sem_alloc : memref<!tpu.dma_semaphore, #tpu.memory_space<semaphore_mem>>
        %dma_start3A = arith.constant 0 : i32
        %dma_start3A_35 = tpu.memref_slice %arg4[%mul3A_6, %dma_start3A] : memref<10000x16xf32, #tpu.memory_space<hbm>> -> memref<625x16xf32, #tpu.memory_space<hbm>>
        %dma_start3A_36 = arith.constant 0 : i32
        %dma_start3A_37 = tpu.memref_slice %arg7[%mul3A_6, %dma_start3A_36] : memref<10000x16xf32, #tpu.memory_space<vmem_shared>> -> memref<625x16xf32, #tpu.memory_space<vmem_shared>>
        tpu.enqueue_dma source(%dma_start3A_37 : memref<625x16xf32, #tpu.memory_space<vmem_shared>>) target(%dma_start3A_35 : memref<625x16xf32, #tpu.memory_space<hbm>>) target_semaphore(%run_scoped3A : memref<!tpu.dma_semaphore, #tpu.memory_space<semaphore_mem>>)
        %dma_wait3A = arith.constant 0 : i32
        %dma_wait3A_38 = tpu.memref_slice %arg4[%mul3A_6, %dma_wait3A] : memref<10000x16xf32, #tpu.memory_space<hbm>> -> memref<625x16xf32, #tpu.memory_space<hbm>>
        %dma_wait3A_39 = arith.constant 0 : i32
        %dma_wait3A_40 = tpu.memref_slice %arg7[%mul3A_6, %dma_wait3A_39] : memref<10000x16xf32, #tpu.memory_space<vmem_shared>> -> memref<625x16xf32, #tpu.memory_space<vmem_shared>>
        tpu.wait_dma2 semaphore(%run_scoped3A : memref<!tpu.dma_semaphore, #tpu.memory_space<semaphore_mem>>) src(%dma_wait3A_40 : memref<625x16xf32, #tpu.memory_space<vmem_shared>>) dst(%dma_wait3A_38 : memref<625x16xf32, #tpu.memory_space<hbm>>)
        tpu.yield
      }) : () -> ()
    } else {
    }
    return
  }
}

#map = affine_map<(d0, d1) -> (0, 0)>
module attributes {stable_mosaic.version = 14 : i64} {
  func.func @sc_segsum(%arg0: i32, %arg1: i32, %arg2: memref<10000x128xf32, #tpu.memory_space<hbm>>, %arg3: memref<10000x128xf32, #tpu.memory_space<hbm>>, %arg4: memref<2x160000xi32, #tpu.memory_space<hbm>>, %arg5: memref<10000x128xf32, #tpu.memory_space<hbm>>, %arg6: memref<10000x128xf32, #tpu.memory_space<hbm>>, %arg7: memref<10000xi32, #tpu.memory_space<vmem>>, %arg8: memref<10000xi32, #tpu.memory_space<vmem>>, %arg9: memref<120x128xf32, #tpu.memory_space<vmem>>, %arg10: memref<120x128xf32, #tpu.memory_space<vmem>>, %arg11: memref<10000x128xf32, #tpu.memory_space<vmem_shared>>, %arg12: memref<!tpu.dma_semaphore, #tpu.memory_space<semaphore_mem>>, %arg13: memref<!tpu.dma_semaphore, #tpu.memory_space<semaphore_mem>>) attributes {dimension_semantics = [#tpu.dimension_semantics<core_parallel>, #tpu.dimension_semantics<subcore_parallel>], iteration_bounds = array<i64: 2, 16>, scalar_prefetch = 0 : i64, scratch_operands = 7 : i64, tpu.core_type = #tpu.core_type<sc_vector_subcore>, window_params = [{transform_indices = #map}, {transform_indices = #map}, {transform_indices = #map}, {transform_indices = #map}, {transform_indices = #map}]} {
    %mul3A = arith.constant 10000 : i32
    %mul3A_0 = arith.muli %arg1, %mul3A : i32
    %dma_start3A = arith.constant 0 : i32
    %dma_start3A_1 = tpu.memref_slice %arg4[%dma_start3A, %mul3A_0] : memref<2x160000xi32, #tpu.memory_space<hbm>> -> memref<1x10000xi32, #tpu.memory_space<hbm>>
    %dma_start3A_2 = tpu.memref_squeeze %dma_start3A_1 : memref<1x10000xi32, #tpu.memory_space<hbm>> -> memref<10000xi32, #tpu.memory_space<hbm>>
    %dma_start3A_3 = tpu.memref_slice %arg4[%dma_start3A, %mul3A_0] : memref<2x160000xi32, #tpu.memory_space<hbm>> -> memref<1x10000xi32, #tpu.memory_space<hbm>>
    %dma_start3A_4 = tpu.memref_squeeze %dma_start3A_3 : memref<1x10000xi32, #tpu.memory_space<hbm>> -> memref<10000xi32, #tpu.memory_space<hbm>>
    tpu.enqueue_dma source(%dma_start3A_4 : memref<10000xi32, #tpu.memory_space<hbm>>) target(%arg7 : memref<10000xi32, #tpu.memory_space<vmem>>) target_semaphore(%arg12 : memref<!tpu.dma_semaphore, #tpu.memory_space<semaphore_mem>>)
    %dma_start3A_5 = arith.constant 1 : i32
    %dma_start3A_6 = tpu.memref_slice %arg4[%dma_start3A_5, %mul3A_0] : memref<2x160000xi32, #tpu.memory_space<hbm>> -> memref<1x10000xi32, #tpu.memory_space<hbm>>
    %dma_start3A_7 = tpu.memref_squeeze %dma_start3A_6 : memref<1x10000xi32, #tpu.memory_space<hbm>> -> memref<10000xi32, #tpu.memory_space<hbm>>
    %dma_start3A_8 = tpu.memref_slice %arg4[%dma_start3A_5, %mul3A_0] : memref<2x160000xi32, #tpu.memory_space<hbm>> -> memref<1x10000xi32, #tpu.memory_space<hbm>>
    %dma_start3A_9 = tpu.memref_squeeze %dma_start3A_8 : memref<1x10000xi32, #tpu.memory_space<hbm>> -> memref<10000xi32, #tpu.memory_space<hbm>>
    tpu.enqueue_dma source(%dma_start3A_9 : memref<10000xi32, #tpu.memory_space<hbm>>) target(%arg8 : memref<10000xi32, #tpu.memory_space<vmem>>) target_semaphore(%arg13 : memref<!tpu.dma_semaphore, #tpu.memory_space<semaphore_mem>>)
    %broadcast_in_dim3A = arith.constant 0.000000e+00 : f32
    %broadcast_in_dim3A_10 = vector.broadcast %broadcast_in_dim3A : f32 to vector<16xf32>
    %scan3A = arith.constant 0 : i32
    %scan3A_11 = arith.constant 0 : i32
    %scan3A_12 = arith.constant 120 : i32
    %scan3A_13 = arith.addi %scan3A_11, %scan3A_12 : i32
    %scan3A_14 = arith.constant 1 : i32
    scf.for %scan3A_92 = %scan3A_11 to %scan3A_13 step %scan3A_14  : i32 {
      %scan3A_93 = arith.constant 0 : i32
      %scan3A_94 = arith.constant 8 : i32
      %scan3A_95 = arith.addi %scan3A_93, %scan3A_94 : i32
      %scan3A_96 = arith.constant 1 : i32
      scf.for %scan3A_98 = %scan3A_93 to %scan3A_95 step %scan3A_96  : i32 {
        %mul3A_99 = arith.constant 16 : i32
        %mul3A_100 = arith.muli %scan3A_98, %mul3A_99 : i32
        %swap3A = arith.index_cast %scan3A_92 : i32 to index
        %swap3A_101 = arith.index_cast %mul3A_100 : i32 to index
        %swap3A_102 = tpu.vector_load %arg10[%swap3A, %swap3A_101] {strides = array<i32>} : memref<120x128xf32, #tpu.memory_space<vmem>>, vector<1x16xf32>,
        %swap3A_103 = vector.shape_cast %swap3A_102 : vector<1x16xf32> to vector<16xf32>
        %swap3A_104 = vector.shape_cast %broadcast_in_dim3A_10 : vector<16xf32> to vector<1x16xf32>
        tpu.vector_store %arg10[%swap3A, %swap3A_101], %swap3A_104 {strides = array<i32>} : memref<120x128xf32, #tpu.memory_space<vmem>>, vector<1x16xf32>,
      }
      %scan3A_97 = arith.constant 8 : i32
    }
    %scan3A_15 = arith.constant 120 : i32
    %mul3A_16 = arith.constant 625 : i32
    %mul3A_17 = arith.muli %arg1, %mul3A_16 : i32
    %add3A = arith.constant 0 : i32
    %add3A_18 = arith.addi %mul3A_17, %add3A : i32
    "tpu.region"() ({
      %run_scoped3A = tpu.sem_alloc : memref<!tpu.dma_semaphore, #tpu.memory_space<semaphore_mem>>
      %dma_start3A_92 = arith.constant 0 : i32
      %dma_start3A_93 = tpu.memref_slice %arg11[%add3A_18, %dma_start3A_92] : memref<10000x128xf32, #tpu.memory_space<vmem_shared>> -> memref<120x128xf32, #tpu.memory_space<vmem_shared>>
      %dma_start3A_94 = arith.constant 0 : i32
      %dma_start3A_95 = tpu.memref_slice %arg11[%add3A_18, %dma_start3A_94] : memref<10000x128xf32, #tpu.memory_space<vmem_shared>> -> memref<120x128xf32, #tpu.memory_space<vmem_shared>>
      tpu.enqueue_dma source(%arg10 : memref<120x128xf32, #tpu.memory_space<vmem>>) target(%dma_start3A_95 : memref<120x128xf32, #tpu.memory_space<vmem_shared>>) target_semaphore(%run_scoped3A : memref<!tpu.dma_semaphore, #tpu.memory_space<semaphore_mem>>)
      %dma_wait3A_96 = arith.constant 0 : i32
      %dma_wait3A_97 = tpu.memref_slice %arg11[%add3A_18, %dma_wait3A_96] : memref<10000x128xf32, #tpu.memory_space<vmem_shared>> -> memref<120x128xf32, #tpu.memory_space<vmem_shared>>
      %dma_wait3A_98 = arith.constant 0 : i32
      %dma_wait3A_99 = tpu.memref_slice %arg11[%add3A_18, %dma_wait3A_98] : memref<10000x128xf32, #tpu.memory_space<vmem_shared>> -> memref<120x128xf32, #tpu.memory_space<vmem_shared>>
      tpu.wait_dma2 semaphore(%run_scoped3A : memref<!tpu.dma_semaphore, #tpu.memory_space<semaphore_mem>>) src(%arg10 : memref<120x128xf32, #tpu.memory_space<vmem>>) dst(%dma_wait3A_99 : memref<120x128xf32, #tpu.memory_space<vmem_shared>>)
      tpu.yield
    }) : () -> ()
    %add3A_19 = arith.constant 120 : i32
    %add3A_20 = arith.addi %mul3A_17, %add3A_19 : i32
    "tpu.region"() ({
      %run_scoped3A = tpu.sem_alloc : memref<!tpu.dma_semaphore, #tpu.memory_space<semaphore_mem>>
      %dma_start3A_92 = arith.constant 0 : i32
      %dma_start3A_93 = tpu.memref_slice %arg11[%add3A_20, %dma_start3A_92] : memref<10000x128xf32, #tpu.memory_space<vmem_shared>> -> memref<120x128xf32, #tpu.memory_space<vmem_shared>>
      %dma_start3A_94 = arith.constant 0 : i32
      %dma_start3A_95 = tpu.memref_slice %arg11[%add3A_20, %dma_start3A_94] : memref<10000x128xf32, #tpu.memory_space<vmem_shared>> -> memref<120x128xf32, #tpu.memory_space<vmem_shared>>
      tpu.enqueue_dma source(%arg10 : memref<120x128xf32, #tpu.memory_space<vmem>>) target(%dma_start3A_95 : memref<120x128xf32, #tpu.memory_space<vmem_shared>>) target_semaphore(%run_scoped3A : memref<!tpu.dma_semaphore, #tpu.memory_space<semaphore_mem>>)
      %dma_wait3A_96 = arith.constant 0 : i32
      %dma_wait3A_97 = tpu.memref_slice %arg11[%add3A_20, %dma_wait3A_96] : memref<10000x128xf32, #tpu.memory_space<vmem_shared>> -> memref<120x128xf32, #tpu.memory_space<vmem_shared>>
      %dma_wait3A_98 = arith.constant 0 : i32
      %dma_wait3A_99 = tpu.memref_slice %arg11[%add3A_20, %dma_wait3A_98] : memref<10000x128xf32, #tpu.memory_space<vmem_shared>> -> memref<120x128xf32, #tpu.memory_space<vmem_shared>>
      tpu.wait_dma2 semaphore(%run_scoped3A : memref<!tpu.dma_semaphore, #tpu.memory_space<semaphore_mem>>) src(%arg10 : memref<120x128xf32, #tpu.memory_space<vmem>>) dst(%dma_wait3A_99 : memref<120x128xf32, #tpu.memory_space<vmem_shared>>)
      tpu.yield
    }) : () -> ()
    %add3A_21 = arith.constant 240 : i32
    %add3A_22 = arith.addi %mul3A_17, %add3A_21 : i32
    "tpu.region"() ({
      %run_scoped3A = tpu.sem_alloc : memref<!tpu.dma_semaphore, #tpu.memory_space<semaphore_mem>>
      %dma_start3A_92 = arith.constant 0 : i32
      %dma_start3A_93 = tpu.memref_slice %arg11[%add3A_22, %dma_start3A_92] : memref<10000x128xf32, #tpu.memory_space<vmem_shared>> -> memref<120x128xf32, #tpu.memory_space<vmem_shared>>
      %dma_start3A_94 = arith.constant 0 : i32
      %dma_start3A_95 = tpu.memref_slice %arg11[%add3A_22, %dma_start3A_94] : memref<10000x128xf32, #tpu.memory_space<vmem_shared>> -> memref<120x128xf32, #tpu.memory_space<vmem_shared>>
      tpu.enqueue_dma source(%arg10 : memref<120x128xf32, #tpu.memory_space<vmem>>) target(%dma_start3A_95 : memref<120x128xf32, #tpu.memory_space<vmem_shared>>) target_semaphore(%run_scoped3A : memref<!tpu.dma_semaphore, #tpu.memory_space<semaphore_mem>>)
      %dma_wait3A_96 = arith.constant 0 : i32
      %dma_wait3A_97 = tpu.memref_slice %arg11[%add3A_22, %dma_wait3A_96] : memref<10000x128xf32, #tpu.memory_space<vmem_shared>> -> memref<120x128xf32, #tpu.memory_space<vmem_shared>>
      %dma_wait3A_98 = arith.constant 0 : i32
      %dma_wait3A_99 = tpu.memref_slice %arg11[%add3A_22, %dma_wait3A_98] : memref<10000x128xf32, #tpu.memory_space<vmem_shared>> -> memref<120x128xf32, #tpu.memory_space<vmem_shared>>
      tpu.wait_dma2 semaphore(%run_scoped3A : memref<!tpu.dma_semaphore, #tpu.memory_space<semaphore_mem>>) src(%arg10 : memref<120x128xf32, #tpu.memory_space<vmem>>) dst(%dma_wait3A_99 : memref<120x128xf32, #tpu.memory_space<vmem_shared>>)
      tpu.yield
    }) : () -> ()
    %add3A_23 = arith.constant 360 : i32
    %add3A_24 = arith.addi %mul3A_17, %add3A_23 : i32
    "tpu.region"() ({
      %run_scoped3A = tpu.sem_alloc : memref<!tpu.dma_semaphore, #tpu.memory_space<semaphore_mem>>
      %dma_start3A_92 = arith.constant 0 : i32
      %dma_start3A_93 = tpu.memref_slice %arg11[%add3A_24, %dma_start3A_92] : memref<10000x128xf32, #tpu.memory_space<vmem_shared>> -> memref<120x128xf32, #tpu.memory_space<vmem_shared>>
      %dma_start3A_94 = arith.constant 0 : i32
      %dma_start3A_95 = tpu.memref_slice %arg11[%add3A_24, %dma_start3A_94] : memref<10000x128xf32, #tpu.memory_space<vmem_shared>> -> memref<120x128xf32, #tpu.memory_space<vmem_shared>>
      tpu.enqueue_dma source(%arg10 : memref<120x128xf32, #tpu.memory_space<vmem>>) target(%dma_start3A_95 : memref<120x128xf32, #tpu.memory_space<vmem_shared>>) target_semaphore(%run_scoped3A : memref<!tpu.dma_semaphore, #tpu.memory_space<semaphore_mem>>)
      %dma_wait3A_96 = arith.constant 0 : i32
      %dma_wait3A_97 = tpu.memref_slice %arg11[%add3A_24, %dma_wait3A_96] : memref<10000x128xf32, #tpu.memory_space<vmem_shared>> -> memref<120x128xf32, #tpu.memory_space<vmem_shared>>
      %dma_wait3A_98 = arith.constant 0 : i32
      %dma_wait3A_99 = tpu.memref_slice %arg11[%add3A_24, %dma_wait3A_98] : memref<10000x128xf32, #tpu.memory_space<vmem_shared>> -> memref<120x128xf32, #tpu.memory_space<vmem_shared>>
      tpu.wait_dma2 semaphore(%run_scoped3A : memref<!tpu.dma_semaphore, #tpu.memory_space<semaphore_mem>>) src(%arg10 : memref<120x128xf32, #tpu.memory_space<vmem>>) dst(%dma_wait3A_99 : memref<120x128xf32, #tpu.memory_space<vmem_shared>>)
      tpu.yield
    }) : () -> ()
    %add3A_25 = arith.constant 480 : i32
    %add3A_26 = arith.addi %mul3A_17, %add3A_25 : i32
    "tpu.region"() ({
      %run_scoped3A = tpu.sem_alloc : memref<!tpu.dma_semaphore, #tpu.memory_space<semaphore_mem>>
      %dma_start3A_92 = arith.constant 0 : i32
      %dma_start3A_93 = tpu.memref_slice %arg11[%add3A_26, %dma_start3A_92] : memref<10000x128xf32, #tpu.memory_space<vmem_shared>> -> memref<120x128xf32, #tpu.memory_space<vmem_shared>>
      %dma_start3A_94 = arith.constant 0 : i32
      %dma_start3A_95 = tpu.memref_slice %arg11[%add3A_26, %dma_start3A_94] : memref<10000x128xf32, #tpu.memory_space<vmem_shared>> -> memref<120x128xf32, #tpu.memory_space<vmem_shared>>
      tpu.enqueue_dma source(%arg10 : memref<120x128xf32, #tpu.memory_space<vmem>>) target(%dma_start3A_95 : memref<120x128xf32, #tpu.memory_space<vmem_shared>>) target_semaphore(%run_scoped3A : memref<!tpu.dma_semaphore, #tpu.memory_space<semaphore_mem>>)
      %dma_wait3A_96 = arith.constant 0 : i32
      %dma_wait3A_97 = tpu.memref_slice %arg11[%add3A_26, %dma_wait3A_96] : memref<10000x128xf32, #tpu.memory_space<vmem_shared>> -> memref<120x128xf32, #tpu.memory_space<vmem_shared>>
      %dma_wait3A_98 = arith.constant 0 : i32
      %dma_wait3A_99 = tpu.memref_slice %arg11[%add3A_26, %dma_wait3A_98] : memref<10000x128xf32, #tpu.memory_space<vmem_shared>> -> memref<120x128xf32, #tpu.memory_space<vmem_shared>>
      tpu.wait_dma2 semaphore(%run_scoped3A : memref<!tpu.dma_semaphore, #tpu.memory_space<semaphore_mem>>) src(%arg10 : memref<120x128xf32, #tpu.memory_space<vmem>>) dst(%dma_wait3A_99 : memref<120x128xf32, #tpu.memory_space<vmem_shared>>)
      tpu.yield
    }) : () -> ()
    %add3A_27 = arith.constant 600 : i32
    %add3A_28 = arith.addi %mul3A_17, %add3A_27 : i32
    "tpu.region"() ({
      %run_scoped3A = tpu.sem_alloc : memref<!tpu.dma_semaphore, #tpu.memory_space<semaphore_mem>>
      %dma_start3A_92 = arith.constant 0 : i32
      %dma_start3A_93 = arith.constant 0 : i32
      %dma_start3A_94 = tpu.memref_slice %arg10[%dma_start3A_92, %dma_start3A_93] : memref<120x128xf32, #tpu.memory_space<vmem>> -> memref<25x128xf32, #tpu.memory_space<vmem>>
      %dma_start3A_95 = arith.constant 0 : i32
      %dma_start3A_96 = tpu.memref_slice %arg11[%add3A_28, %dma_start3A_95] : memref<10000x128xf32, #tpu.memory_space<vmem_shared>> -> memref<25x128xf32, #tpu.memory_space<vmem_shared>>
      %dma_start3A_97 = arith.constant 0 : i32
      %dma_start3A_98 = tpu.memref_slice %arg11[%add3A_28, %dma_start3A_97] : memref<10000x128xf32, #tpu.memory_space<vmem_shared>> -> memref<25x128xf32, #tpu.memory_space<vmem_shared>>
      %dma_start3A_99 = arith.constant 0 : i32
      %dma_start3A_100 = arith.constant 0 : i32
      %dma_start3A_101 = tpu.memref_slice %arg10[%dma_start3A_99, %dma_start3A_100] : memref<120x128xf32, #tpu.memory_space<vmem>> -> memref<25x128xf32, #tpu.memory_space<vmem>>
      tpu.enqueue_dma source(%dma_start3A_101 : memref<25x128xf32, #tpu.memory_space<vmem>>) target(%dma_start3A_98 : memref<25x128xf32, #tpu.memory_space<vmem_shared>>) target_semaphore(%run_scoped3A : memref<!tpu.dma_semaphore, #tpu.memory_space<semaphore_mem>>)
      %dma_wait3A_102 = arith.constant 0 : i32
      %dma_wait3A_103 = arith.constant 0 : i32
      %dma_wait3A_104 = tpu.memref_slice %arg10[%dma_wait3A_102, %dma_wait3A_103] : memref<120x128xf32, #tpu.memory_space<vmem>> -> memref<25x128xf32, #tpu.memory_space<vmem>>
      %dma_wait3A_105 = arith.constant 0 : i32
      %dma_wait3A_106 = tpu.memref_slice %arg11[%add3A_28, %dma_wait3A_105] : memref<10000x128xf32, #tpu.memory_space<vmem_shared>> -> memref<25x128xf32, #tpu.memory_space<vmem_shared>>
      %dma_wait3A_107 = arith.constant 0 : i32
      %dma_wait3A_108 = tpu.memref_slice %arg11[%add3A_28, %dma_wait3A_107] : memref<10000x128xf32, #tpu.memory_space<vmem_shared>> -> memref<25x128xf32, #tpu.memory_space<vmem_shared>>
      %dma_wait3A_109 = arith.constant 0 : i32
      %dma_wait3A_110 = arith.constant 0 : i32
      %dma_wait3A_111 = tpu.memref_slice %arg10[%dma_wait3A_109, %dma_wait3A_110] : memref<120x128xf32, #tpu.memory_space<vmem>> -> memref<25x128xf32, #tpu.memory_space<vmem>>
      tpu.wait_dma2 semaphore(%run_scoped3A : memref<!tpu.dma_semaphore, #tpu.memory_space<semaphore_mem>>) src(%dma_wait3A_111 : memref<25x128xf32, #tpu.memory_space<vmem>>) dst(%dma_wait3A_108 : memref<25x128xf32, #tpu.memory_space<vmem_shared>>)
      tpu.yield
    }) : () -> ()
    %dma_wait3A = arith.constant 0 : i32
    %dma_wait3A_29 = tpu.memref_slice %arg4[%dma_wait3A, %mul3A_0] : memref<2x160000xi32, #tpu.memory_space<hbm>> -> memref<1x10000xi32, #tpu.memory_space<hbm>>
    %dma_wait3A_30 = tpu.memref_squeeze %dma_wait3A_29 : memref<1x10000xi32, #tpu.memory_space<hbm>> -> memref<10000xi32, #tpu.memory_space<hbm>>
    %dma_wait3A_31 = tpu.memref_slice %arg4[%dma_wait3A, %mul3A_0] : memref<2x160000xi32, #tpu.memory_space<hbm>> -> memref<1x10000xi32, #tpu.memory_space<hbm>>
    %dma_wait3A_32 = tpu.memref_squeeze %dma_wait3A_31 : memref<1x10000xi32, #tpu.memory_space<hbm>> -> memref<10000xi32, #tpu.memory_space<hbm>>
    tpu.wait_dma2 semaphore(%arg12 : memref<!tpu.dma_semaphore, #tpu.memory_space<semaphore_mem>>) src(%dma_wait3A_32 : memref<10000xi32, #tpu.memory_space<hbm>>) dst(%arg7 : memref<10000xi32, #tpu.memory_space<vmem>>)
    %dma_wait3A_33 = arith.constant 1 : i32
    %dma_wait3A_34 = tpu.memref_slice %arg4[%dma_wait3A_33, %mul3A_0] : memref<2x160000xi32, #tpu.memory_space<hbm>> -> memref<1x10000xi32, #tpu.memory_space<hbm>>
    %dma_wait3A_35 = tpu.memref_squeeze %dma_wait3A_34 : memref<1x10000xi32, #tpu.memory_space<hbm>> -> memref<10000xi32, #tpu.memory_space<hbm>>
    %dma_wait3A_36 = tpu.memref_slice %arg4[%dma_wait3A_33, %mul3A_0] : memref<2x160000xi32, #tpu.memory_space<hbm>> -> memref<1x10000xi32, #tpu.memory_space<hbm>>
    %dma_wait3A_37 = tpu.memref_squeeze %dma_wait3A_36 : memref<1x10000xi32, #tpu.memory_space<hbm>> -> memref<10000xi32, #tpu.memory_space<hbm>>
    tpu.wait_dma2 semaphore(%arg13 : memref<!tpu.dma_semaphore, #tpu.memory_space<semaphore_mem>>) src(%dma_wait3A_37 : memref<10000xi32, #tpu.memory_space<hbm>>) dst(%arg8 : memref<10000xi32, #tpu.memory_space<vmem>>)
    %eq3A = arith.constant 0 : i32
    %eq3A_38 = arith.cmpi eq, %arg0, %eq3A : i32
    %convert_element_type3A = arith.extui %eq3A_38 : i1 to i32
    %cond3A = arith.constant 0 : i32
    %cond3A_39 = arith.cmpi ne, %convert_element_type3A, %cond3A : i32
    scf.if %cond3A_39 {
      %dma_start3A_92 = arith.constant 0 : i32
      %dma_start3A_93 = tpu.memref_slice %arg7[%dma_start3A_92] : memref<10000xi32, #tpu.memory_space<vmem>> -> memref<120xi32, #tpu.memory_space<vmem>>
      %dma_start3A_94 = arith.constant 0 : i32
      %dma_start3A_95 = arith.constant 0 : i32
      %dma_start3A_96 = tpu.memref_slice %arg2[%dma_start3A_94, %dma_start3A_95] : memref<10000x128xf32, #tpu.memory_space<hbm>> -> memref<10000x128xf32, #tpu.memory_space<hbm>>
      tpu.enqueue_indirect_dma source(%dma_start3A_96 : memref<10000x128xf32, #tpu.memory_space<hbm>>) target(%arg9 : memref<120x128xf32, #tpu.memory_space<vmem>>) offsets(%dma_start3A_93 : memref<120xi32, #tpu.memory_space<vmem>>) semaphore(%arg12 : memref<!tpu.dma_semaphore, #tpu.memory_space<semaphore_mem>>)
    } else {
    }
    %eq3A_40 = arith.constant 1 : i32
    %eq3A_41 = arith.cmpi eq, %arg0, %eq3A_40 : i32
    %convert_element_type3A_42 = arith.extui %eq3A_41 : i1 to i32
    %cond3A_43 = arith.constant 0 : i32
    %cond3A_44 = arith.cmpi ne, %convert_element_type3A_42, %cond3A_43 : i32
    scf.if %cond3A_44 {
      %dma_start3A_92 = arith.constant 0 : i32
      %dma_start3A_93 = tpu.memref_slice %arg7[%dma_start3A_92] : memref<10000xi32, #tpu.memory_space<vmem>> -> memref<120xi32, #tpu.memory_space<vmem>>
      %dma_start3A_94 = arith.constant 0 : i32
      %dma_start3A_95 = arith.constant 0 : i32
      %dma_start3A_96 = tpu.memref_slice %arg3[%dma_start3A_94, %dma_start3A_95] : memref<10000x128xf32, #tpu.memory_space<hbm>> -> memref<10000x128xf32, #tpu.memory_space<hbm>>
      tpu.enqueue_indirect_dma source(%dma_start3A_96 : memref<10000x128xf32, #tpu.memory_space<hbm>>) target(%arg9 : memref<120x128xf32, #tpu.memory_space<vmem>>) offsets(%dma_start3A_93 : memref<120xi32, #tpu.memory_space<vmem>>) semaphore(%arg12 : memref<!tpu.dma_semaphore, #tpu.memory_space<semaphore_mem>>)
    } else {
    }
    %barrier3A = arith.constant 0 : index
    tpu.barrier barrier_id(%barrier3A)
    %scan3A_45 = arith.constant 0 : i32
    %scan3A_46 = arith.constant 0 : i32
    %scan3A_47 = arith.constant 41 : i32
    %scan3A_48 = arith.addi %scan3A_46, %scan3A_47 : i32
    %scan3A_49 = arith.constant 1 : i32
    scf.for %scan3A_92 = %scan3A_46 to %scan3A_48 step %scan3A_49  : i32 {
      %mul3A_93 = arith.constant 2 : i32
      %mul3A_94 = arith.muli %mul3A_93, %scan3A_92 : i32
      %mul3A_95 = arith.constant 120 : i32
      %mul3A_96 = arith.muli %mul3A_94, %mul3A_95 : i32
      %add3A_97 = arith.constant 120 : i32
      %add3A_98 = arith.addi %mul3A_96, %add3A_97 : i32
      %eq3A_99 = arith.constant 0 : i32
      %eq3A_100 = arith.cmpi eq, %arg0, %eq3A_99 : i32
      %convert_element_type3A_101 = arith.extui %eq3A_100 : i1 to i32
      %cond3A_102 = arith.constant 0 : i32
      %cond3A_103 = arith.cmpi ne, %convert_element_type3A_101, %cond3A_102 : i32
      scf.if %cond3A_103 {
        %dma_start3A_141 = tpu.memref_slice %arg7[%add3A_98] : memref<10000xi32, #tpu.memory_space<vmem>> -> memref<120xi32, #tpu.memory_space<vmem>>
        %dma_start3A_142 = arith.constant 0 : i32
        %dma_start3A_143 = arith.constant 0 : i32
        %dma_start3A_144 = tpu.memref_slice %arg2[%dma_start3A_142, %dma_start3A_143] : memref<10000x128xf32, #tpu.memory_space<hbm>> -> memref<10000x128xf32, #tpu.memory_space<hbm>>
        tpu.enqueue_indirect_dma source(%dma_start3A_144 : memref<10000x128xf32, #tpu.memory_space<hbm>>) target(%arg10 : memref<120x128xf32, #tpu.memory_space<vmem>>) offsets(%dma_start3A_141 : memref<120xi32, #tpu.memory_space<vmem>>) semaphore(%arg13 : memref<!tpu.dma_semaphore, #tpu.memory_space<semaphore_mem>>)
      } else {
      }
      %eq3A_104 = arith.constant 1 : i32
      %eq3A_105 = arith.cmpi eq, %arg0, %eq3A_104 : i32
      %convert_element_type3A_106 = arith.extui %eq3A_105 : i1 to i32
      %cond3A_107 = arith.constant 0 : i32
      %cond3A_108 = arith.cmpi ne, %convert_element_type3A_106, %cond3A_107 : i32
      scf.if %cond3A_108 {
        %dma_start3A_141 = tpu.memref_slice %arg7[%add3A_98] : memref<10000xi32, #tpu.memory_space<vmem>> -> memref<120xi32, #tpu.memory_space<vmem>>
        %dma_start3A_142 = arith.constant 0 : i32
        %dma_start3A_143 = arith.constant 0 : i32
        %dma_start3A_144 = tpu.memref_slice %arg3[%dma_start3A_142, %dma_start3A_143] : memref<10000x128xf32, #tpu.memory_space<hbm>> -> memref<10000x128xf32, #tpu.memory_space<hbm>>
        tpu.enqueue_indirect_dma source(%dma_start3A_144 : memref<10000x128xf32, #tpu.memory_space<hbm>>) target(%arg10 : memref<120x128xf32, #tpu.memory_space<vmem>>) offsets(%dma_start3A_141 : memref<120xi32, #tpu.memory_space<vmem>>) semaphore(%arg13 : memref<!tpu.dma_semaphore, #tpu.memory_space<semaphore_mem>>)
      } else {
      }
      %eq3A_109 = arith.constant 0 : i32
      %eq3A_110 = arith.cmpi eq, %arg0, %eq3A_109 : i32
      %convert_element_type3A_111 = arith.extui %eq3A_110 : i1 to i32
      %cond3A_112 = arith.constant 0 : i32
      %cond3A_113 = arith.cmpi ne, %convert_element_type3A_111, %cond3A_112 : i32
      scf.if %cond3A_113 {
        %dma_wait3A_141 = tpu.memref_slice %arg7[%mul3A_96] : memref<10000xi32, #tpu.memory_space<vmem>> -> memref<120xi32, #tpu.memory_space<vmem>>
        %dma_wait3A_142 = arith.constant 0 : i32
        %dma_wait3A_143 = arith.constant 0 : i32
        %dma_wait3A_144 = tpu.memref_slice %arg2[%dma_wait3A_142, %dma_wait3A_143] : memref<10000x128xf32, #tpu.memory_space<hbm>> -> memref<10000x128xf32, #tpu.memory_space<hbm>>
        tpu.wait_indirect_dma semaphore(%arg12 : memref<!tpu.dma_semaphore, #tpu.memory_space<semaphore_mem>>) src(%dma_wait3A_144 : memref<10000x128xf32, #tpu.memory_space<hbm>>) dst(%arg9 : memref<120x128xf32, #tpu.memory_space<vmem>>)
      } else {
      }
      %eq3A_114 = arith.constant 1 : i32
      %eq3A_115 = arith.cmpi eq, %arg0, %eq3A_114 : i32
      %convert_element_type3A_116 = arith.extui %eq3A_115 : i1 to i32
      %cond3A_117 = arith.constant 0 : i32
      %cond3A_118 = arith.cmpi ne, %convert_element_type3A_116, %cond3A_117 : i32
      scf.if %cond3A_118 {
        %dma_wait3A_141 = tpu.memref_slice %arg7[%mul3A_96] : memref<10000xi32, #tpu.memory_space<vmem>> -> memref<120xi32, #tpu.memory_space<vmem>>
        %dma_wait3A_142 = arith.constant 0 : i32
        %dma_wait3A_143 = arith.constant 0 : i32
        %dma_wait3A_144 = tpu.memref_slice %arg3[%dma_wait3A_142, %dma_wait3A_143] : memref<10000x128xf32, #tpu.memory_space<hbm>> -> memref<10000x128xf32, #tpu.memory_space<hbm>>
        tpu.wait_indirect_dma semaphore(%arg12 : memref<!tpu.dma_semaphore, #tpu.memory_space<semaphore_mem>>) src(%dma_wait3A_144 : memref<10000x128xf32, #tpu.memory_space<hbm>>) dst(%arg9 : memref<120x128xf32, #tpu.memory_space<vmem>>)
      } else {
      }
      "tpu.region"() ({
        %run_scoped3A = tpu.sem_alloc : memref<!tpu.dma_semaphore, #tpu.memory_space<semaphore_mem>>
        %dma_start3A_141 = tpu.memref_slice %arg8[%mul3A_96] : memref<10000xi32, #tpu.memory_space<vmem>> -> memref<120xi32, #tpu.memory_space<vmem>>
        %dma_start3A_142 = arith.constant 0 : i32
        %dma_start3A_143 = arith.constant 0 : i32
        %dma_start3A_144 = tpu.memref_slice %arg11[%dma_start3A_142, %dma_start3A_143] : memref<10000x128xf32, #tpu.memory_space<vmem_shared>> -> memref<10000x128xf32, #tpu.memory_space<vmem_shared>>
        tpu.enqueue_indirect_dma source(%arg9 : memref<120x128xf32, #tpu.memory_space<vmem>>) target(%dma_start3A_144 : memref<10000x128xf32, #tpu.memory_space<vmem_shared>>) offsets(%dma_start3A_141 : memref<120xi32, #tpu.memory_space<vmem>>) semaphore(%run_scoped3A : memref<!tpu.dma_semaphore, #tpu.memory_space<semaphore_mem>>) {add = true}
        %dma_wait3A_145 = tpu.memref_slice %arg8[%mul3A_96] : memref<10000xi32, #tpu.memory_space<vmem>> -> memref<120xi32, #tpu.memory_space<vmem>>
        %dma_wait3A_146 = arith.constant 0 : i32
        %dma_wait3A_147 = arith.constant 0 : i32
        %dma_wait3A_148 = tpu.memref_slice %arg11[%dma_wait3A_146, %dma_wait3A_147] : memref<10000x128xf32, #tpu.memory_space<vmem_shared>> -> memref<10000x128xf32, #tpu.memory_space<vmem_shared>>
        tpu.wait_indirect_dma semaphore(%run_scoped3A : memref<!tpu.dma_semaphore, #tpu.memory_space<semaphore_mem>>) src(%arg9 : memref<120x128xf32, #tpu.memory_space<vmem>>) dst(%dma_wait3A_148 : memref<10000x128xf32, #tpu.memory_space<vmem_shared>>)
        tpu.yield
      }) : () -> ()
      %mul3A_119 = arith.constant 2 : i32
      %mul3A_120 = arith.muli %mul3A_119, %scan3A_92 : i32
      %add3A_121 = arith.constant 2 : i32
      %add3A_122 = arith.addi %mul3A_120, %add3A_121 : i32
      %lt3A = arith.constant 83 : i32
      %lt3A_123 = arith.cmpi slt, %add3A_122, %lt3A : i32
      %convert_element_type3A_124 = arith.extui %lt3A_123 : i1 to i32
      %cond3A_125 = arith.constant 0 : i32
      %cond3A_126 = arith.cmpi ne, %convert_element_type3A_124, %cond3A_125 : i32
      scf.if %cond3A_126 {
        %add3A_141 = arith.constant 240 : i32
        %add3A_142 = arith.addi %mul3A_96, %add3A_141 : i32
        %eq3A_143 = arith.constant 0 : i32
        %eq3A_144 = arith.cmpi eq, %arg0, %eq3A_143 : i32
        %convert_element_type3A_145 = arith.extui %eq3A_144 : i1 to i32
        %cond3A_146 = arith.constant 0 : i32
        %cond3A_147 = arith.cmpi ne, %convert_element_type3A_145, %cond3A_146 : i32
        scf.if %cond3A_147 {
          %dma_start3A_153 = tpu.memref_slice %arg7[%add3A_142] : memref<10000xi32, #tpu.memory_space<vmem>> -> memref<120xi32, #tpu.memory_space<vmem>>
          %dma_start3A_154 = arith.constant 0 : i32
          %dma_start3A_155 = arith.constant 0 : i32
          %dma_start3A_156 = tpu.memref_slice %arg2[%dma_start3A_154, %dma_start3A_155] : memref<10000x128xf32, #tpu.memory_space<hbm>> -> memref<10000x128xf32, #tpu.memory_space<hbm>>
          tpu.enqueue_indirect_dma source(%dma_start3A_156 : memref<10000x128xf32, #tpu.memory_space<hbm>>) target(%arg9 : memref<120x128xf32, #tpu.memory_space<vmem>>) offsets(%dma_start3A_153 : memref<120xi32, #tpu.memory_space<vmem>>) semaphore(%arg12 : memref<!tpu.dma_semaphore, #tpu.memory_space<semaphore_mem>>)
        } else {
        }
        %eq3A_148 = arith.constant 1 : i32
        %eq3A_149 = arith.cmpi eq, %arg0, %eq3A_148 : i32
        %convert_element_type3A_150 = arith.extui %eq3A_149 : i1 to i32
        %cond3A_151 = arith.constant 0 : i32
        %cond3A_152 = arith.cmpi ne, %convert_element_type3A_150, %cond3A_151 : i32
        scf.if %cond3A_152 {
          %dma_start3A_153 = tpu.memref_slice %arg7[%add3A_142] : memref<10000xi32, #tpu.memory_space<vmem>> -> memref<120xi32, #tpu.memory_space<vmem>>
          %dma_start3A_154 = arith.constant 0 : i32
          %dma_start3A_155 = arith.constant 0 : i32
          %dma_start3A_156 = tpu.memref_slice %arg3[%dma_start3A_154, %dma_start3A_155] : memref<10000x128xf32, #tpu.memory_space<hbm>> -> memref<10000x128xf32, #tpu.memory_space<hbm>>
          tpu.enqueue_indirect_dma source(%dma_start3A_156 : memref<10000x128xf32, #tpu.memory_space<hbm>>) target(%arg9 : memref<120x128xf32, #tpu.memory_space<vmem>>) offsets(%dma_start3A_153 : memref<120xi32, #tpu.memory_space<vmem>>) semaphore(%arg12 : memref<!tpu.dma_semaphore, #tpu.memory_space<semaphore_mem>>)
        } else {
        }
      } else {
      }
      %add3A_127 = arith.constant 120 : i32
      %add3A_128 = arith.addi %mul3A_96, %add3A_127 : i32
      %eq3A_129 = arith.constant 0 : i32
      %eq3A_130 = arith.cmpi eq, %arg0, %eq3A_129 : i32
      %convert_element_type3A_131 = arith.extui %eq3A_130 : i1 to i32
      %cond3A_132 = arith.constant 0 : i32
      %cond3A_133 = arith.cmpi ne, %convert_element_type3A_131, %cond3A_132 : i32
      scf.if %cond3A_133 {
        %dma_wait3A_141 = tpu.memref_slice %arg7[%add3A_128] : memref<10000xi32, #tpu.memory_space<vmem>> -> memref<120xi32, #tpu.memory_space<vmem>>
        %dma_wait3A_142 = arith.constant 0 : i32
        %dma_wait3A_143 = arith.constant 0 : i32
        %dma_wait3A_144 = tpu.memref_slice %arg2[%dma_wait3A_142, %dma_wait3A_143] : memref<10000x128xf32, #tpu.memory_space<hbm>> -> memref<10000x128xf32, #tpu.memory_space<hbm>>
        tpu.wait_indirect_dma semaphore(%arg13 : memref<!tpu.dma_semaphore, #tpu.memory_space<semaphore_mem>>) src(%dma_wait3A_144 : memref<10000x128xf32, #tpu.memory_space<hbm>>) dst(%arg10 : memref<120x128xf32, #tpu.memory_space<vmem>>)
      } else {
      }
      %eq3A_134 = arith.constant 1 : i32
      %eq3A_135 = arith.cmpi eq, %arg0, %eq3A_134 : i32
      %convert_element_type3A_136 = arith.extui %eq3A_135 : i1 to i32
      %cond3A_137 = arith.constant 0 : i32
      %cond3A_138 = arith.cmpi ne, %convert_element_type3A_136, %cond3A_137 : i32
      scf.if %cond3A_138 {
        %dma_wait3A_141 = tpu.memref_slice %arg7[%add3A_128] : memref<10000xi32, #tpu.memory_space<vmem>> -> memref<120xi32, #tpu.memory_space<vmem>>
        %dma_wait3A_142 = arith.constant 0 : i32
        %dma_wait3A_143 = arith.constant 0 : i32
        %dma_wait3A_144 = tpu.memref_slice %arg3[%dma_wait3A_142, %dma_wait3A_143] : memref<10000x128xf32, #tpu.memory_space<hbm>> -> memref<10000x128xf32, #tpu.memory_space<hbm>>
        tpu.wait_indirect_dma semaphore(%arg13 : memref<!tpu.dma_semaphore, #tpu.memory_space<semaphore_mem>>) src(%dma_wait3A_144 : memref<10000x128xf32, #tpu.memory_space<hbm>>) dst(%arg10 : memref<120x128xf32, #tpu.memory_space<vmem>>)
      } else {
      }
      %add3A_139 = arith.constant 120 : i32
      %add3A_140 = arith.addi %mul3A_96, %add3A_139 : i32
      "tpu.region"() ({
        %run_scoped3A = tpu.sem_alloc : memref<!tpu.dma_semaphore, #tpu.memory_space<semaphore_mem>>
        %dma_start3A_141 = tpu.memref_slice %arg8[%add3A_140] : memref<10000xi32, #tpu.memory_space<vmem>> -> memref<120xi32, #tpu.memory_space<vmem>>
        %dma_start3A_142 = arith.constant 0 : i32
        %dma_start3A_143 = arith.constant 0 : i32
        %dma_start3A_144 = tpu.memref_slice %arg11[%dma_start3A_142, %dma_start3A_143] : memref<10000x128xf32, #tpu.memory_space<vmem_shared>> -> memref<10000x128xf32, #tpu.memory_space<vmem_shared>>
        tpu.enqueue_indirect_dma source(%arg10 : memref<120x128xf32, #tpu.memory_space<vmem>>) target(%dma_start3A_144 : memref<10000x128xf32, #tpu.memory_space<vmem_shared>>) offsets(%dma_start3A_141 : memref<120xi32, #tpu.memory_space<vmem>>) semaphore(%run_scoped3A : memref<!tpu.dma_semaphore, #tpu.memory_space<semaphore_mem>>) {add = true}
        %dma_wait3A_145 = tpu.memref_slice %arg8[%add3A_140] : memref<10000xi32, #tpu.memory_space<vmem>> -> memref<120xi32, #tpu.memory_space<vmem>>
        %dma_wait3A_146 = arith.constant 0 : i32
        %dma_wait3A_147 = arith.constant 0 : i32
        %dma_wait3A_148 = tpu.memref_slice %arg11[%dma_wait3A_146, %dma_wait3A_147] : memref<10000x128xf32, #tpu.memory_space<vmem_shared>> -> memref<10000x128xf32, #tpu.memory_space<vmem_shared>>
        tpu.wait_indirect_dma semaphore(%run_scoped3A : memref<!tpu.dma_semaphore, #tpu.memory_space<semaphore_mem>>) src(%arg10 : memref<120x128xf32, #tpu.memory_space<vmem>>) dst(%dma_wait3A_148 : memref<10000x128xf32, #tpu.memory_space<vmem_shared>>)
        tpu.yield
      }) : () -> ()
    }
    %scan3A_50 = arith.constant 41 : i32
    %eq3A_51 = arith.constant 0 : i32
    %eq3A_52 = arith.cmpi eq, %arg0, %eq3A_51 : i32
    %convert_element_type3A_53 = arith.extui %eq3A_52 : i1 to i32
    %cond3A_54 = arith.constant 0 : i32
    %cond3A_55 = arith.cmpi ne, %convert_element_type3A_53, %cond3A_54 : i32
    scf.if %cond3A_55 {
      %dma_wait3A_92 = arith.constant 9840 : i32
      %dma_wait3A_93 = tpu.memref_slice %arg7[%dma_wait3A_92] : memref<10000xi32, #tpu.memory_space<vmem>> -> memref<120xi32, #tpu.memory_space<vmem>>
      %dma_wait3A_94 = arith.constant 0 : i32
      %dma_wait3A_95 = arith.constant 0 : i32
      %dma_wait3A_96 = tpu.memref_slice %arg2[%dma_wait3A_94, %dma_wait3A_95] : memref<10000x128xf32, #tpu.memory_space<hbm>> -> memref<10000x128xf32, #tpu.memory_space<hbm>>
      tpu.wait_indirect_dma semaphore(%arg12 : memref<!tpu.dma_semaphore, #tpu.memory_space<semaphore_mem>>) src(%dma_wait3A_96 : memref<10000x128xf32, #tpu.memory_space<hbm>>) dst(%arg9 : memref<120x128xf32, #tpu.memory_space<vmem>>)
    } else {
    }
    %eq3A_56 = arith.constant 1 : i32
    %eq3A_57 = arith.cmpi eq, %arg0, %eq3A_56 : i32
    %convert_element_type3A_58 = arith.extui %eq3A_57 : i1 to i32
    %cond3A_59 = arith.constant 0 : i32
    %cond3A_60 = arith.cmpi ne, %convert_element_type3A_58, %cond3A_59 : i32
    scf.if %cond3A_60 {
      %dma_wait3A_92 = arith.constant 9840 : i32
      %dma_wait3A_93 = tpu.memref_slice %arg7[%dma_wait3A_92] : memref<10000xi32, #tpu.memory_space<vmem>> -> memref<120xi32, #tpu.memory_space<vmem>>
      %dma_wait3A_94 = arith.constant 0 : i32
      %dma_wait3A_95 = arith.constant 0 : i32
      %dma_wait3A_96 = tpu.memref_slice %arg3[%dma_wait3A_94, %dma_wait3A_95] : memref<10000x128xf32, #tpu.memory_space<hbm>> -> memref<10000x128xf32, #tpu.memory_space<hbm>>
      tpu.wait_indirect_dma semaphore(%arg12 : memref<!tpu.dma_semaphore, #tpu.memory_space<semaphore_mem>>) src(%dma_wait3A_96 : memref<10000x128xf32, #tpu.memory_space<hbm>>) dst(%arg9 : memref<120x128xf32, #tpu.memory_space<vmem>>)
    } else {
    }
    "tpu.region"() ({
      %run_scoped3A = tpu.sem_alloc : memref<!tpu.dma_semaphore, #tpu.memory_space<semaphore_mem>>
      %dma_start3A_92 = arith.constant 9840 : i32
      %dma_start3A_93 = tpu.memref_slice %arg8[%dma_start3A_92] : memref<10000xi32, #tpu.memory_space<vmem>> -> memref<120xi32, #tpu.memory_space<vmem>>
      %dma_start3A_94 = arith.constant 0 : i32
      %dma_start3A_95 = arith.constant 0 : i32
      %dma_start3A_96 = tpu.memref_slice %arg11[%dma_start3A_94, %dma_start3A_95] : memref<10000x128xf32, #tpu.memory_space<vmem_shared>> -> memref<10000x128xf32, #tpu.memory_space<vmem_shared>>
      tpu.enqueue_indirect_dma source(%arg9 : memref<120x128xf32, #tpu.memory_space<vmem>>) target(%dma_start3A_96 : memref<10000x128xf32, #tpu.memory_space<vmem_shared>>) offsets(%dma_start3A_93 : memref<120xi32, #tpu.memory_space<vmem>>) semaphore(%run_scoped3A : memref<!tpu.dma_semaphore, #tpu.memory_space<semaphore_mem>>) {add = true}
      %dma_wait3A_97 = arith.constant 9840 : i32
      %dma_wait3A_98 = tpu.memref_slice %arg8[%dma_wait3A_97] : memref<10000xi32, #tpu.memory_space<vmem>> -> memref<120xi32, #tpu.memory_space<vmem>>
      %dma_wait3A_99 = arith.constant 0 : i32
      %dma_wait3A_100 = arith.constant 0 : i32
      %dma_wait3A_101 = tpu.memref_slice %arg11[%dma_wait3A_99, %dma_wait3A_100] : memref<10000x128xf32, #tpu.memory_space<vmem_shared>> -> memref<10000x128xf32, #tpu.memory_space<vmem_shared>>
      tpu.wait_indirect_dma semaphore(%run_scoped3A : memref<!tpu.dma_semaphore, #tpu.memory_space<semaphore_mem>>) src(%arg9 : memref<120x128xf32, #tpu.memory_space<vmem>>) dst(%dma_wait3A_101 : memref<10000x128xf32, #tpu.memory_space<vmem_shared>>)
      tpu.yield
    }) : () -> ()
    %eq3A_61 = arith.constant 0 : i32
    %eq3A_62 = arith.cmpi eq, %arg0, %eq3A_61 : i32
    %convert_element_type3A_63 = arith.extui %eq3A_62 : i1 to i32
    %cond3A_64 = arith.constant 0 : i32
    %cond3A_65 = arith.cmpi ne, %convert_element_type3A_63, %cond3A_64 : i32
    scf.if %cond3A_65 {
      %dma_start3A_92 = arith.constant 0 : i32
      %dma_start3A_93 = arith.constant 0 : i32
      %dma_start3A_94 = tpu.memref_slice %arg10[%dma_start3A_92, %dma_start3A_93] : memref<120x128xf32, #tpu.memory_space<vmem>> -> memref<40x128xf32, #tpu.memory_space<vmem>>
      %dma_start3A_95 = arith.constant 9960 : i32
      %dma_start3A_96 = tpu.memref_slice %arg7[%dma_start3A_95] : memref<10000xi32, #tpu.memory_space<vmem>> -> memref<40xi32, #tpu.memory_space<vmem>>
      %dma_start3A_97 = arith.constant 0 : i32
      %dma_start3A_98 = arith.constant 0 : i32
      %dma_start3A_99 = tpu.memref_slice %arg2[%dma_start3A_97, %dma_start3A_98] : memref<10000x128xf32, #tpu.memory_space<hbm>> -> memref<10000x128xf32, #tpu.memory_space<hbm>>
      tpu.enqueue_indirect_dma source(%dma_start3A_99 : memref<10000x128xf32, #tpu.memory_space<hbm>>) target(%dma_start3A_94 : memref<40x128xf32, #tpu.memory_space<vmem>>) offsets(%dma_start3A_96 : memref<40xi32, #tpu.memory_space<vmem>>) semaphore(%arg13 : memref<!tpu.dma_semaphore, #tpu.memory_space<semaphore_mem>>)
    } else {
    }
    %eq3A_66 = arith.constant 1 : i32
    %eq3A_67 = arith.cmpi eq, %arg0, %eq3A_66 : i32
    %convert_element_type3A_68 = arith.extui %eq3A_67 : i1 to i32
    %cond3A_69 = arith.constant 0 : i32
    %cond3A_70 = arith.cmpi ne, %convert_element_type3A_68, %cond3A_69 : i32
    scf.if %cond3A_70 {
      %dma_start3A_92 = arith.constant 0 : i32
      %dma_start3A_93 = arith.constant 0 : i32
      %dma_start3A_94 = tpu.memref_slice %arg10[%dma_start3A_92, %dma_start3A_93] : memref<120x128xf32, #tpu.memory_space<vmem>> -> memref<40x128xf32, #tpu.memory_space<vmem>>
      %dma_start3A_95 = arith.constant 9960 : i32
      %dma_start3A_96 = tpu.memref_slice %arg7[%dma_start3A_95] : memref<10000xi32, #tpu.memory_space<vmem>> -> memref<40xi32, #tpu.memory_space<vmem>>
      %dma_start3A_97 = arith.constant 0 : i32
      %dma_start3A_98 = arith.constant 0 : i32
      %dma_start3A_99 = tpu.memref_slice %arg3[%dma_start3A_97, %dma_start3A_98] : memref<10000x128xf32, #tpu.memory_space<hbm>> -> memref<10000x128xf32, #tpu.memory_space<hbm>>
      tpu.enqueue_indirect_dma source(%dma_start3A_99 : memref<10000x128xf32, #tpu.memory_space<hbm>>) target(%dma_start3A_94 : memref<40x128xf32, #tpu.memory_space<vmem>>) offsets(%dma_start3A_96 : memref<40xi32, #tpu.memory_space<vmem>>) semaphore(%arg13 : memref<!tpu.dma_semaphore, #tpu.memory_space<semaphore_mem>>)
    } else {
    }
    %eq3A_71 = arith.constant 0 : i32
    %eq3A_72 = arith.cmpi eq, %arg0, %eq3A_71 : i32
    %convert_element_type3A_73 = arith.extui %eq3A_72 : i1 to i32
    %cond3A_74 = arith.constant 0 : i32
    %cond3A_75 = arith.cmpi ne, %convert_element_type3A_73, %cond3A_74 : i32
    scf.if %cond3A_75 {
      %dma_wait3A_92 = arith.constant 0 : i32
      %dma_wait3A_93 = arith.constant 0 : i32
      %dma_wait3A_94 = tpu.memref_slice %arg10[%dma_wait3A_92, %dma_wait3A_93] : memref<120x128xf32, #tpu.memory_space<vmem>> -> memref<40x128xf32, #tpu.memory_space<vmem>>
      %dma_wait3A_95 = arith.constant 9960 : i32
      %dma_wait3A_96 = tpu.memref_slice %arg7[%dma_wait3A_95] : memref<10000xi32, #tpu.memory_space<vmem>> -> memref<40xi32, #tpu.memory_space<vmem>>
      %dma_wait3A_97 = arith.constant 0 : i32
      %dma_wait3A_98 = arith.constant 0 : i32
      %dma_wait3A_99 = tpu.memref_slice %arg2[%dma_wait3A_97, %dma_wait3A_98] : memref<10000x128xf32, #tpu.memory_space<hbm>> -> memref<10000x128xf32, #tpu.memory_space<hbm>>
      tpu.wait_indirect_dma semaphore(%arg13 : memref<!tpu.dma_semaphore, #tpu.memory_space<semaphore_mem>>) src(%dma_wait3A_99 : memref<10000x128xf32, #tpu.memory_space<hbm>>) dst(%dma_wait3A_94 : memref<40x128xf32, #tpu.memory_space<vmem>>)
    } else {
    }
    %eq3A_76 = arith.constant 1 : i32
    %eq3A_77 = arith.cmpi eq, %arg0, %eq3A_76 : i32
    %convert_element_type3A_78 = arith.extui %eq3A_77 : i1 to i32
    %cond3A_79 = arith.constant 0 : i32
    %cond3A_80 = arith.cmpi ne, %convert_element_type3A_78, %cond3A_79 : i32
    scf.if %cond3A_80 {
      %dma_wait3A_92 = arith.constant 0 : i32
      %dma_wait3A_93 = arith.constant 0 : i32
      %dma_wait3A_94 = tpu.memref_slice %arg10[%dma_wait3A_92, %dma_wait3A_93] : memref<120x128xf32, #tpu.memory_space<vmem>> -> memref<40x128xf32, #tpu.memory_space<vmem>>
      %dma_wait3A_95 = arith.constant 9960 : i32
      %dma_wait3A_96 = tpu.memref_slice %arg7[%dma_wait3A_95] : memref<10000xi32, #tpu.memory_space<vmem>> -> memref<40xi32, #tpu.memory_space<vmem>>
      %dma_wait3A_97 = arith.constant 0 : i32
      %dma_wait3A_98 = arith.constant 0 : i32
      %dma_wait3A_99 = tpu.memref_slice %arg3[%dma_wait3A_97, %dma_wait3A_98] : memref<10000x128xf32, #tpu.memory_space<hbm>> -> memref<10000x128xf32, #tpu.memory_space<hbm>>
      tpu.wait_indirect_dma semaphore(%arg13 : memref<!tpu.dma_semaphore, #tpu.memory_space<semaphore_mem>>) src(%dma_wait3A_99 : memref<10000x128xf32, #tpu.memory_space<hbm>>) dst(%dma_wait3A_94 : memref<40x128xf32, #tpu.memory_space<vmem>>)
    } else {
    }
    "tpu.region"() ({
      %run_scoped3A = tpu.sem_alloc : memref<!tpu.dma_semaphore, #tpu.memory_space<semaphore_mem>>
      %dma_start3A_92 = arith.constant 0 : i32
      %dma_start3A_93 = arith.constant 0 : i32
      %dma_start3A_94 = tpu.memref_slice %arg10[%dma_start3A_92, %dma_start3A_93] : memref<120x128xf32, #tpu.memory_space<vmem>> -> memref<40x128xf32, #tpu.memory_space<vmem>>
      %dma_start3A_95 = arith.constant 9960 : i32
      %dma_start3A_96 = tpu.memref_slice %arg8[%dma_start3A_95] : memref<10000xi32, #tpu.memory_space<vmem>> -> memref<40xi32, #tpu.memory_space<vmem>>
      %dma_start3A_97 = arith.constant 0 : i32
      %dma_start3A_98 = arith.constant 0 : i32
      %dma_start3A_99 = tpu.memref_slice %arg11[%dma_start3A_97, %dma_start3A_98] : memref<10000x128xf32, #tpu.memory_space<vmem_shared>> -> memref<10000x128xf32, #tpu.memory_space<vmem_shared>>
      tpu.enqueue_indirect_dma source(%dma_start3A_94 : memref<40x128xf32, #tpu.memory_space<vmem>>) target(%dma_start3A_99 : memref<10000x128xf32, #tpu.memory_space<vmem_shared>>) offsets(%dma_start3A_96 : memref<40xi32, #tpu.memory_space<vmem>>) semaphore(%run_scoped3A : memref<!tpu.dma_semaphore, #tpu.memory_space<semaphore_mem>>) {add = true}
      %dma_wait3A_100 = arith.constant 0 : i32
      %dma_wait3A_101 = arith.constant 0 : i32
      %dma_wait3A_102 = tpu.memref_slice %arg10[%dma_wait3A_100, %dma_wait3A_101] : memref<120x128xf32, #tpu.memory_space<vmem>> -> memref<40x128xf32, #tpu.memory_space<vmem>>
      %dma_wait3A_103 = arith.constant 9960 : i32
      %dma_wait3A_104 = tpu.memref_slice %arg8[%dma_wait3A_103] : memref<10000xi32, #tpu.memory_space<vmem>> -> memref<40xi32, #tpu.memory_space<vmem>>
      %dma_wait3A_105 = arith.constant 0 : i32
      %dma_wait3A_106 = arith.constant 0 : i32
      %dma_wait3A_107 = tpu.memref_slice %arg11[%dma_wait3A_105, %dma_wait3A_106] : memref<10000x128xf32, #tpu.memory_space<vmem_shared>> -> memref<10000x128xf32, #tpu.memory_space<vmem_shared>>
      tpu.wait_indirect_dma semaphore(%run_scoped3A : memref<!tpu.dma_semaphore, #tpu.memory_space<semaphore_mem>>) src(%dma_wait3A_102 : memref<40x128xf32, #tpu.memory_space<vmem>>) dst(%dma_wait3A_107 : memref<10000x128xf32, #tpu.memory_space<vmem_shared>>)
      tpu.yield
    }) : () -> ()
    %barrier3A_81 = arith.constant 0 : index
    tpu.barrier barrier_id(%barrier3A_81)
    %eq3A_82 = arith.constant 0 : i32
    %eq3A_83 = arith.cmpi eq, %arg0, %eq3A_82 : i32
    %convert_element_type3A_84 = arith.extui %eq3A_83 : i1 to i32
    %cond3A_85 = arith.constant 0 : i32
    %cond3A_86 = arith.cmpi ne, %convert_element_type3A_84, %cond3A_85 : i32
    scf.if %cond3A_86 {
      "tpu.region"() ({
        %run_scoped3A = tpu.sem_alloc : memref<!tpu.dma_semaphore, #tpu.memory_space<semaphore_mem>>
        %dma_start3A_92 = arith.constant 0 : i32
        %dma_start3A_93 = tpu.memref_slice %arg5[%mul3A_17, %dma_start3A_92] : memref<10000x128xf32, #tpu.memory_space<hbm>> -> memref<625x128xf32, #tpu.memory_space<hbm>>
        %dma_start3A_94 = arith.constant 0 : i32
        %dma_start3A_95 = tpu.memref_slice %arg11[%mul3A_17, %dma_start3A_94] : memref<10000x128xf32, #tpu.memory_space<vmem_shared>> -> memref<625x128xf32, #tpu.memory_space<vmem_shared>>
        tpu.enqueue_dma source(%dma_start3A_95 : memref<625x128xf32, #tpu.memory_space<vmem_shared>>) target(%dma_start3A_93 : memref<625x128xf32, #tpu.memory_space<hbm>>) target_semaphore(%run_scoped3A : memref<!tpu.dma_semaphore, #tpu.memory_space<semaphore_mem>>)
        %dma_wait3A_96 = arith.constant 0 : i32
        %dma_wait3A_97 = tpu.memref_slice %arg5[%mul3A_17, %dma_wait3A_96] : memref<10000x128xf32, #tpu.memory_space<hbm>> -> memref<625x128xf32, #tpu.memory_space<hbm>>
        %dma_wait3A_98 = arith.constant 0 : i32
        %dma_wait3A_99 = tpu.memref_slice %arg11[%mul3A_17, %dma_wait3A_98] : memref<10000x128xf32, #tpu.memory_space<vmem_shared>> -> memref<625x128xf32, #tpu.memory_space<vmem_shared>>
        tpu.wait_dma2 semaphore(%run_scoped3A : memref<!tpu.dma_semaphore, #tpu.memory_space<semaphore_mem>>) src(%dma_wait3A_99 : memref<625x128xf32, #tpu.memory_space<vmem_shared>>) dst(%dma_wait3A_97 : memref<625x128xf32, #tpu.memory_space<hbm>>)
        tpu.yield
      }) : () -> ()
    } else {
    }
    %eq3A_87 = arith.constant 1 : i32
    %eq3A_88 = arith.cmpi eq, %arg0, %eq3A_87 : i32
    %convert_element_type3A_89 = arith.extui %eq3A_88 : i1 to i32
    %cond3A_90 = arith.constant 0 : i32
    %cond3A_91 = arith.cmpi ne, %convert_element_type3A_89, %cond3A_90 : i32
    scf.if %cond3A_91 {
      "tpu.region"() ({
        %run_scoped3A = tpu.sem_alloc : memref<!tpu.dma_semaphore, #tpu.memory_space<semaphore_mem>>
        %dma_start3A_92 = arith.constant 0 : i32
        %dma_start3A_93 = tpu.memref_slice %arg6[%mul3A_17, %dma_start3A_92] : memref<10000x128xf32, #tpu.memory_space<hbm>> -> memref<625x128xf32, #tpu.memory_space<hbm>>
        %dma_start3A_94 = arith.constant 0 : i32
        %dma_start3A_95 = tpu.memref_slice %arg11[%mul3A_17, %dma_start3A_94] : memref<10000x128xf32, #tpu.memory_space<vmem_shared>> -> memref<625x128xf32, #tpu.memory_space<vmem_shared>>
        tpu.enqueue_dma source(%dma_start3A_95 : memref<625x128xf32, #tpu.memory_space<vmem_shared>>) target(%dma_start3A_93 : memref<625x128xf32, #tpu.memory_space<hbm>>) target_semaphore(%run_scoped3A : memref<!tpu.dma_semaphore, #tpu.memory_space<semaphore_mem>>)
        %dma_wait3A_96 = arith.constant 0 : i32
        %dma_wait3A_97 = tpu.memref_slice %arg6[%mul3A_17, %dma_wait3A_96] : memref<10000x128xf32, #tpu.memory_space<hbm>> -> memref<625x128xf32, #tpu.memory_space<hbm>>
        %dma_wait3A_98 = arith.constant 0 : i32
        %dma_wait3A_99 = tpu.memref_slice %arg11[%mul3A_17, %dma_wait3A_98] : memref<10000x128xf32, #tpu.memory_space<vmem_shared>> -> memref<625x128xf32, #tpu.memory_space<vmem_shared>>
        tpu.wait_dma2 semaphore(%run_scoped3A : memref<!tpu.dma_semaphore, #tpu.memory_space<semaphore_mem>>) src(%dma_wait3A_99 : memref<625x128xf32, #tpu.memory_space<vmem_shared>>) dst(%dma_wait3A_97 : memref<625x128xf32, #tpu.memory_space<hbm>>)
        tpu.yield
      }) : () -> ()
    } else {
    }
    return
  }
}

module attributes {stable_mosaic.version = 14 : i64} {
  func.func @_tc1_body(%arg0: i32, %arg1: memref<2000x256xf32, #tpu.memory_space<vmem>>, %arg2: memref<256x256xf32, #tpu.memory_space<vmem>>, %arg3: memref<2000x128xf32, #tpu.memory_space<vmem>>, %arg4: memref<2000x128xf32, #tpu.memory_space<vmem>>) attributes {dimension_semantics = [#tpu.dimension_semantics<arbitrary>], iteration_bounds = array<i64: 5>, scalar_prefetch = 0 : i64, scratch_operands = 0 : i64, tpu.core_type = #tpu.core_type<tc>, window_params = [{transform_indices = @transform_0, window_bounds = array<i64: 2000, 256>}, {pipeline_mode = #tpu.pipeline_mode<synchronous>, transform_indices = @transform_1, window_bounds = array<i64: 256, 256>}, {transform_indices = @transform_2, window_bounds = array<i64: 2000, 128>}, {transform_indices = @transform_3, window_bounds = array<i64: 2000, 128>}]} {
    %get3A = arith.constant 0 : index
    %get3A_0 = arith.constant 0 : index
    %get3A_1 = vector.load %arg1[%get3A, %get3A_0] : memref<2000x256xf32, #tpu.memory_space<vmem>>, vector<2000x256xf32>
    %get3A_2 = arith.constant 0 : index
    %get3A_3 = arith.constant 0 : index
    %get3A_4 = vector.load %arg2[%get3A_2, %get3A_3] : memref<256x256xf32, #tpu.memory_space<vmem>>, vector<256x256xf32>
    %dot_general3A = arith.constant dense<0.000000e+00> : vector<2000x256xf32>
    %dot_general3A_5 = tpu.matmul %get3A_1, %get3A_4, %dot_general3A {dimension_numbers = #tpu.dot_dimension_numbers<[1], [0], [0], [1], [0, 0, 1, 1], [], []>, transpose_lhs_hint = false} : vector<2000x256xf32>, vector<256x256xf32>, vector<2000x256xf32> -> vector<2000x256xf32>
    %slice3A = vector.extract_strided_slice %dot_general3A_5 {offsets = [0, 0], sizes = [2000, 128], strides = [1, 1]} : vector<2000x256xf32> to vector<2000x128xf32>
    %swap3A = arith.constant 0 : index
    %swap3A_6 = arith.constant 0 : index
    %swap3A_7 = vector.load %arg3[%swap3A, %swap3A_6] : memref<2000x128xf32, #tpu.memory_space<vmem>>, vector<2000x128xf32>
    tpu.vector_store %arg3[%swap3A, %swap3A_6], %slice3A {strides = array<i32>} : memref<2000x128xf32, #tpu.memory_space<vmem>>, vector<2000x128xf32>,
    %slice3A_8 = vector.extract_strided_slice %dot_general3A_5 {offsets = [0, 128], sizes = [2000, 128], strides = [1, 1]} : vector<2000x256xf32> to vector<2000x128xf32>
    %swap3A_9 = arith.constant 0 : index
    %swap3A_10 = arith.constant 0 : index
    %swap3A_11 = vector.load %arg4[%swap3A_9, %swap3A_10] : memref<2000x128xf32, #tpu.memory_space<vmem>>, vector<2000x128xf32>
    tpu.vector_store %arg4[%swap3A_9, %swap3A_10], %slice3A_8 {strides = array<i32>} : memref<2000x128xf32, #tpu.memory_space<vmem>>, vector<2000x128xf32>,
    return
  }
  func.func @transform_0(%arg0: i32) -> (i32, i32) {
    %c0_i32 = arith.constant 0 : i32
    %c0_i32_0 = arith.constant 0 : i32
    return %arg0, %c0_i32 : i32, i32
  }
  func.func @transform_1(%arg0: i32) -> (i32, i32) {
    %c0_i32 = arith.constant 0 : i32
    %c0_i32_0 = arith.constant 0 : i32
    %c0_i32_1 = arith.constant 0 : i32
    return %c0_i32, %c0_i32_0 : i32, i32
  }
  func.func @transform_2(%arg0: i32) -> (i32, i32) {
    %c0_i32 = arith.constant 0 : i32
    %c0_i32_0 = arith.constant 0 : i32
    return %arg0, %c0_i32 : i32, i32
  }
  func.func @transform_3(%arg0: i32) -> (i32, i32) {
    %c0_i32 = arith.constant 0 : i32
    %c0_i32_0 = arith.constant 0 : i32
    return %arg0, %c0_i32 : i32, i32
  }
}

module attributes {stable_mosaic.version = 14 : i64} {
  func.func @_tc2_body(%arg0: i32, %arg1: memref<2000x128xf32, #tpu.memory_space<vmem>>, %arg2: memref<2000x128xf32, #tpu.memory_space<vmem>>, %arg3: memref<2000x16xf32, #tpu.memory_space<vmem>>, %arg4: memref<2000x16xf32, #tpu.memory_space<vmem>>, %arg5: memref<2000x256xf32, #tpu.memory_space<vmem>>, %arg6: memref<256x256xf32, #tpu.memory_space<vmem>>, %arg7: memref<1x256xf32, #tpu.memory_space<vmem>>, %arg8: memref<256x128xf32, #tpu.memory_space<vmem>>, %arg9: memref<256x128xf32, #tpu.memory_space<vmem>>, %arg10: memref<2000x128xf32, #tpu.memory_space<vmem>>, %arg11: memref<2000x144xf32, #tpu.memory_space<vmem>>) attributes {dimension_semantics = [#tpu.dimension_semantics<arbitrary>], iteration_bounds = array<i64: 5>, scalar_prefetch = 0 : i64, scratch_operands = 0 : i64, tpu.core_type = #tpu.core_type<tc>, window_params = [{transform_indices = @transform_0, window_bounds = array<i64: 2000, 128>}, {transform_indices = @transform_1, window_bounds = array<i64: 2000, 128>}, {transform_indices = @transform_2, window_bounds = array<i64: 2000, 16>}, {transform_indices = @transform_3, window_bounds = array<i64: 2000, 16>}, {transform_indices = @transform_4, window_bounds = array<i64: 2000, 256>}, {pipeline_mode = #tpu.pipeline_mode<synchronous>, transform_indices = @transform_5, window_bounds = array<i64: 256, 256>}, {pipeline_mode = #tpu.pipeline_mode<synchronous>, transform_indices = @transform_6, window_bounds = array<i64: 1, 256>}, {pipeline_mode = #tpu.pipeline_mode<synchronous>, transform_indices = @transform_7, window_bounds = array<i64: 256, 128>}, {pipeline_mode = #tpu.pipeline_mode<synchronous>, transform_indices = @transform_8, window_bounds = array<i64: 256, 128>}, {transform_indices = @transform_9, window_bounds = array<i64: 2000, 128>}, {transform_indices = @transform_10, window_bounds = array<i64: 2000, 144>}]} {
    %get3A = arith.constant 0 : index
    %get3A_0 = arith.constant 0 : index
    %get3A_1 = vector.load %arg1[%get3A, %get3A_0] : memref<2000x128xf32, #tpu.memory_space<vmem>>, vector<2000x128xf32>
    %get3A_2 = arith.constant 0 : index
    %get3A_3 = arith.constant 0 : index
    %get3A_4 = vector.load %arg3[%get3A_2, %get3A_3] : memref<2000x16xf32, #tpu.memory_space<vmem>>, vector<2000x1xf32>
    %get3A_5 = arith.constant 0 : index
    %get3A_6 = arith.constant 0 : index
    %get3A_7 = vector.load %arg4[%get3A_5, %get3A_6] : memref<2000x16xf32, #tpu.memory_space<vmem>>, vector<2000x1xf32>
    %add3A = arith.addf %get3A_4, %get3A_7 : vector<2000x1xf32>
    %max3A = arith.constant 1.000000e+00 : f32
    %max3A_8 = vector.broadcast %max3A : f32 to vector<2000x1xf32>
    %max3A_9 = arith.maximumf %add3A, %max3A_8 : vector<2000x1xf32>
    %get3A_10 = arith.constant 0 : index
    %get3A_11 = arith.constant 0 : index
    %get3A_12 = vector.load %arg5[%get3A_10, %get3A_11] : memref<2000x256xf32, #tpu.memory_space<vmem>>, vector<2000x256xf32>
    %get3A_13 = arith.constant 0 : index
    %get3A_14 = arith.constant 0 : index
    %get3A_15 = vector.load %arg6[%get3A_13, %get3A_14] : memref<256x256xf32, #tpu.memory_space<vmem>>, vector<256x256xf32>
    %dot_general3A = arith.constant dense<0.000000e+00> : vector<2000x256xf32>
    %dot_general3A_16 = tpu.matmul %get3A_12, %get3A_15, %dot_general3A {dimension_numbers = #tpu.dot_dimension_numbers<[1], [0], [0], [1], [0, 0, 1, 1], [], []>, transpose_lhs_hint = false} : vector<2000x256xf32>, vector<256x256xf32>, vector<2000x256xf32> -> vector<2000x256xf32>
    %get3A_17 = arith.constant 0 : index
    %get3A_18 = arith.constant 0 : index
    %get3A_19 = vector.load %arg2[%get3A_17, %get3A_18] : memref<2000x128xf32, #tpu.memory_space<vmem>>, vector<2000x128xf32>
    %concatenate3A = tpu.concatenate %get3A_1, %get3A_19 in 1 : vector<2000x128xf32>, vector<2000x128xf32> -> vector<2000x256xf32>
    %div3A = vector.broadcast %max3A_9 : vector<2000x1xf32> to vector<2000x256xf32>
    %div3A_20 = arith.divf %concatenate3A, %div3A : vector<2000x256xf32>
    %add3A_21 = arith.addf %div3A_20, %dot_general3A_16 : vector<2000x256xf32>
    %get3A_22 = arith.constant 0 : index
    %get3A_23 = arith.constant 0 : index
    %get3A_24 = vector.load %arg7[%get3A_22, %get3A_23] : memref<1x256xf32, #tpu.memory_space<vmem>>, vector<1x256xf32>
    %add3A_25 = vector.broadcast %get3A_24 : vector<1x256xf32> to vector<2000x256xf32>
    %add3A_26 = arith.addf %add3A_21, %add3A_25 : vector<2000x256xf32>
    %max3A_27 = arith.constant 0.000000e+00 : f32
    %max3A_28 = vector.broadcast %max3A_27 : f32 to vector<2000x256xf32>
    %max3A_29 = arith.maximumf %add3A_26, %max3A_28 : vector<2000x256xf32>
    %get3A_30 = arith.constant 0 : index
    %get3A_31 = arith.constant 0 : index
    %get3A_32 = vector.load %arg8[%get3A_30, %get3A_31] : memref<256x128xf32, #tpu.memory_space<vmem>>, vector<256x128xf32>
    %dot_general3A_33 = arith.constant dense<0.000000e+00> : vector<2000x128xf32>
    %dot_general3A_34 = tpu.matmul %max3A_29, %get3A_32, %dot_general3A_33 {dimension_numbers = #tpu.dot_dimension_numbers<[1], [0], [0], [1], [0, 0, 1, 1], [], []>, transpose_lhs_hint = false} : vector<2000x256xf32>, vector<256x128xf32>, vector<2000x128xf32> -> vector<2000x128xf32>
    %swap3A = arith.constant 0 : index
    %swap3A_35 = arith.constant 0 : index
    %swap3A_36 = vector.load %arg10[%swap3A, %swap3A_35] : memref<2000x128xf32, #tpu.memory_space<vmem>>, vector<2000x128xf32>
    tpu.vector_store %arg10[%swap3A, %swap3A_35], %dot_general3A_34 {strides = array<i32>} : memref<2000x128xf32, #tpu.memory_space<vmem>>, vector<2000x128xf32>,
    %get3A_37 = arith.constant 0 : index
    %get3A_38 = arith.constant 0 : index
    %get3A_39 = vector.load %arg9[%get3A_37, %get3A_38] : memref<256x128xf32, #tpu.memory_space<vmem>>, vector<256x128xf32>
    %dot_general3A_40 = arith.constant dense<0.000000e+00> : vector<2000x128xf32>
    %dot_general3A_41 = tpu.matmul %max3A_29, %get3A_39, %dot_general3A_40 {dimension_numbers = #tpu.dot_dimension_numbers<[1], [0], [0], [1], [0, 0, 1, 1], [], []>, transpose_lhs_hint = false} : vector<2000x256xf32>, vector<256x128xf32>, vector<2000x128xf32> -> vector<2000x128xf32>
    %broadcast_in_dim3A = arith.constant 0.000000e+00 : f32
    %broadcast_in_dim3A_42 = vector.broadcast %broadcast_in_dim3A : f32 to vector<2000x15xf32>
    %concatenate3A_43 = tpu.concatenate %dot_general3A_41, %max3A_9, %broadcast_in_dim3A_42 in 1 : vector<2000x128xf32>, vector<2000x1xf32>, vector<2000x15xf32> -> vector<2000x144xf32>
    %swap3A_44 = arith.constant 0 : index
    %swap3A_45 = arith.constant 0 : index
    %swap3A_46 = vector.load %arg11[%swap3A_44, %swap3A_45] : memref<2000x144xf32, #tpu.memory_space<vmem>>, vector<2000x144xf32>
    tpu.vector_store %arg11[%swap3A_44, %swap3A_45], %concatenate3A_43 {strides = array<i32>} : memref<2000x144xf32, #tpu.memory_space<vmem>>, vector<2000x144xf32>,
    return
  }
  func.func @transform_0(%arg0: i32) -> (i32, i32) {
    %c0_i32 = arith.constant 0 : i32
    %c0_i32_0 = arith.constant 0 : i32
    return %arg0, %c0_i32 : i32, i32
  }
  func.func @transform_1(%arg0: i32) -> (i32, i32) {
    %c0_i32 = arith.constant 0 : i32
    %c0_i32_0 = arith.constant 0 : i32
    return %arg0, %c0_i32 : i32, i32
  }
  func.func @transform_2(%arg0: i32) -> (i32, i32) {
    %c0_i32 = arith.constant 0 : i32
    %c0_i32_0 = arith.constant 0 : i32
    return %arg0, %c0_i32 : i32, i32
  }
  func.func @transform_3(%arg0: i32) -> (i32, i32) {
    %c0_i32 = arith.constant 0 : i32
    %c0_i32_0 = arith.constant 0 : i32
    return %arg0, %c0_i32 : i32, i32
  }
  func.func @transform_4(%arg0: i32) -> (i32, i32) {
    %c0_i32 = arith.constant 0 : i32
    %c0_i32_0 = arith.constant 0 : i32
    return %arg0, %c0_i32 : i32, i32
  }
  func.func @transform_5(%arg0: i32) -> (i32, i32) {
    %c0_i32 = arith.constant 0 : i32
    %c0_i32_0 = arith.constant 0 : i32
    %c0_i32_1 = arith.constant 0 : i32
    return %c0_i32, %c0_i32_0 : i32, i32
  }
  func.func @transform_6(%arg0: i32) -> (i32, i32) {
    %c0_i32 = arith.constant 0 : i32
    %c0_i32_0 = arith.constant 0 : i32
    %c0_i32_1 = arith.constant 0 : i32
    return %c0_i32, %c0_i32_0 : i32, i32
  }
  func.func @transform_7(%arg0: i32) -> (i32, i32) {
    %c0_i32 = arith.constant 0 : i32
    %c0_i32_0 = arith.constant 0 : i32
    %c0_i32_1 = arith.constant 0 : i32
    return %c0_i32, %c0_i32_0 : i32, i32
  }
  func.func @transform_8(%arg0: i32) -> (i32, i32) {
    %c0_i32 = arith.constant 0 : i32
    %c0_i32_0 = arith.constant 0 : i32
    %c0_i32_1 = arith.constant 0 : i32
    return %c0_i32, %c0_i32_0 : i32, i32
  }
  func.func @transform_9(%arg0: i32) -> (i32, i32) {
    %c0_i32 = arith.constant 0 : i32
    %c0_i32_0 = arith.constant 0 : i32
    return %arg0, %c0_i32 : i32, i32
  }
  func.func @transform_10(%arg0: i32) -> (i32, i32) {
    %c0_i32 = arith.constant 0 : i32
    %c0_i32_0 = arith.constant 0 : i32
    return %arg0, %c0_i32 : i32, i32
  }
}

module attributes {stable_mosaic.version = 14 : i64} {
  func.func @_tc3_body(%arg0: i32, %arg1: memref<2000x128xf32, #tpu.memory_space<vmem>>, %arg2: memref<2000x128xf32, #tpu.memory_space<vmem>>, %arg3: memref<2000x144xf32, #tpu.memory_space<vmem>>, %arg4: memref<1x128xf32, #tpu.memory_space<vmem>>, %arg5: memref<2000x128xf32, #tpu.memory_space<vmem>>) attributes {dimension_semantics = [#tpu.dimension_semantics<arbitrary>], iteration_bounds = array<i64: 5>, scalar_prefetch = 0 : i64, scratch_operands = 0 : i64, tpu.core_type = #tpu.core_type<tc>, window_params = [{transform_indices = @transform_0, window_bounds = array<i64: 2000, 128>}, {transform_indices = @transform_1, window_bounds = array<i64: 2000, 128>}, {transform_indices = @transform_2, window_bounds = array<i64: 2000, 144>}, {pipeline_mode = #tpu.pipeline_mode<synchronous>, transform_indices = @transform_3, window_bounds = array<i64: 1, 128>}, {transform_indices = @transform_4, window_bounds = array<i64: 2000, 128>}]} {
    %get3A = arith.constant 0 : index
    %get3A_0 = arith.constant 0 : index
    %get3A_1 = vector.load %arg3[%get3A, %get3A_0] : memref<2000x144xf32, #tpu.memory_space<vmem>>, vector<2000x144xf32>
    %slice3A = vector.extract_strided_slice %get3A_1 {offsets = [0, 128], sizes = [2000, 1], strides = [1, 1]} : vector<2000x144xf32> to vector<2000x1xf32>
    %get3A_2 = arith.constant 0 : index
    %get3A_3 = arith.constant 0 : index
    %get3A_4 = vector.load %arg1[%get3A_2, %get3A_3] : memref<2000x128xf32, #tpu.memory_space<vmem>>, vector<2000x128xf32>
    %get3A_5 = arith.constant 0 : index
    %get3A_6 = arith.constant 0 : index
    %get3A_7 = vector.load %arg2[%get3A_5, %get3A_6] : memref<2000x128xf32, #tpu.memory_space<vmem>>, vector<2000x128xf32>
    %add3A = arith.addf %get3A_4, %get3A_7 : vector<2000x128xf32>
    %div3A = vector.broadcast %slice3A : vector<2000x1xf32> to vector<2000x128xf32>
    %div3A_8 = arith.divf %add3A, %div3A : vector<2000x128xf32>
    %slice3A_9 = vector.extract_strided_slice %get3A_1 {offsets = [0, 0], sizes = [2000, 128], strides = [1, 1]} : vector<2000x144xf32> to vector<2000x128xf32>
    %add3A_10 = arith.addf %div3A_8, %slice3A_9 : vector<2000x128xf32>
    %get3A_11 = arith.constant 0 : index
    %get3A_12 = arith.constant 0 : index
    %get3A_13 = vector.load %arg4[%get3A_11, %get3A_12] : memref<1x128xf32, #tpu.memory_space<vmem>>, vector<1x128xf32>
    %add3A_14 = vector.broadcast %get3A_13 : vector<1x128xf32> to vector<2000x128xf32>
    %add3A_15 = arith.addf %add3A_10, %add3A_14 : vector<2000x128xf32>
    %reduce_max3A = arith.constant dense<0xFF800000> : vector<2000xf32>
    %reduce_max3A_16 = vector.multi_reduction <maximumf>, %add3A_15, %reduce_max3A [1] : vector<2000x128xf32> to vector<2000xf32>
    %broadcast_in_dim3A = vector.shape_cast %reduce_max3A_16 : vector<2000xf32> to vector<2000x1xf32>
    %sub3A = vector.broadcast %broadcast_in_dim3A : vector<2000x1xf32> to vector<2000x128xf32>
    %sub3A_17 = arith.subf %add3A_15, %sub3A : vector<2000x128xf32>
    %exp3A = math.exp %sub3A_17 : vector<2000x128xf32>
    %reduce_sum3A = arith.constant dense<0.000000e+00> : vector<2000xf32>
    %reduce_sum3A_18 = vector.multi_reduction <add>, %exp3A, %reduce_sum3A [1] : vector<2000x128xf32> to vector<2000xf32>
    %broadcast_in_dim3A_19 = vector.shape_cast %reduce_sum3A_18 : vector<2000xf32> to vector<2000x1xf32>
    %log3A = math.log %broadcast_in_dim3A_19 : vector<2000x1xf32>
    %sub3A_20 = vector.broadcast %broadcast_in_dim3A : vector<2000x1xf32> to vector<2000x128xf32>
    %sub3A_21 = arith.subf %add3A_15, %sub3A_20 : vector<2000x128xf32>
    %sub3A_22 = vector.broadcast %log3A : vector<2000x1xf32> to vector<2000x128xf32>
    %sub3A_23 = arith.subf %sub3A_21, %sub3A_22 : vector<2000x128xf32>
    %swap3A = arith.constant 0 : index
    %swap3A_24 = arith.constant 0 : index
    %swap3A_25 = vector.load %arg5[%swap3A, %swap3A_24] : memref<2000x128xf32, #tpu.memory_space<vmem>>, vector<2000x128xf32>
    tpu.vector_store %arg5[%swap3A, %swap3A_24], %sub3A_23 {strides = array<i32>} : memref<2000x128xf32, #tpu.memory_space<vmem>>, vector<2000x128xf32>,
    return
  }
  func.func @transform_0(%arg0: i32) -> (i32, i32) {
    %c0_i32 = arith.constant 0 : i32
    %c0_i32_0 = arith.constant 0 : i32
    return %arg0, %c0_i32 : i32, i32
  }
  func.func @transform_1(%arg0: i32) -> (i32, i32) {
    %c0_i32 = arith.constant 0 : i32
    %c0_i32_0 = arith.constant 0 : i32
    return %arg0, %c0_i32 : i32, i32
  }
  func.func @transform_2(%arg0: i32) -> (i32, i32) {
    %c0_i32 = arith.constant 0 : i32
    %c0_i32_0 = arith.constant 0 : i32
    return %arg0, %c0_i32 : i32, i32
  }
  func.func @transform_3(%arg0: i32) -> (i32, i32) {
    %c0_i32 = arith.constant 0 : i32
    %c0_i32_0 = arith.constant 0 : i32
    %c0_i32_1 = arith.constant 0 : i32
    return %c0_i32, %c0_i32_0 : i32, i32
  }
  func.func @transform_4(%arg0: i32) -> (i32, i32) {
    %c0_i32 = arith.constant 0 : i32
    %c0_i32_0 = arith.constant 0 : i32
    return %arg0, %c0_i32 : i32, i32
  }
}

</mosaic_0001>

<sc_bundles>
// kernel: kernel.11.cloned.1.call-start
scs
__scs_entry_jumppad:
0x0: {  	(pc) =	sbr.rel $0x88, $3  }
0x1: {  	(tag) =	ssettag $0x0;
	lr =	simm.s32 $0x1  }
0x2: {  	[smem:$0x3F99] =	sst lr;
	_ =	strace $0xD0000000  }
0x3: {  	_ = 	snop  }
0x4: {  	_ = 	snop  }
0x5: {  	_ = 	snop  }
0x6: {  	_ = 	snop  }
0x7: {  	_ = 	snop  }
__scs_overlays_trampoline_lowered:
0x8: {  	[smem:$0x3FA8] =	sst s0  }
0x9: {  	[smem:$0x3FA9] =	sst s1  }
0xa: {  	[smem:$0x3FAA] =	sst s2  }
0xb: {  	[smem:$0x3FAB] =	sst s3  }
0xc: {  	[smem:$0x3FAC] =	sst s4  }
0xd: {  	[smem:$0x3FAD] =	sst s5  }
0xe: {  	[smem:$0x3FAE] =	sst s6  }
0xf: {  	[smem:$0x3FAF] =	sst s7  }
0x10: {  	[smem:$0x3FB0] =	sst s8  }
0x11: {  	[smem:$0x3FB1] =	sst s9;
	s0 =	simm.s32 @!p0 $0x0  }
0x12: {  	s1 =	sld [smem:$0x3F97];
	s0 =	simm.s32 @p0 $0x1  }
0x13: {  	[smem:$0x3FB2] =	sst s0;
	s0 =	simm.s32 @!p1 $0x0  }
0x14: {  	s2 =	sld [smem:$0x3F96];
	s0 =	simm.s32 @p1 $0x1  }
0x15: {  	[smem:$0x3FB3] =	sst s0;
	s0 =	simm.s32 @!p2 $0x0  }
0x16: {  	s3 =	sld [smem:$0x3FDB];
	s0 =	simm.s32 @p2 $0x1  }
0x17: {  	s4 =	simm.s32 $0x1BF5;
	[smem:$0x3FB5] =	sst s0  }
0x18: {  	s0 =	sld [smem:$0x3F98];
	_ =	swait.ge [sflag:s4], $0x0  }
0x19: {  	s7 =	sld [smem:$0x3F99]  }
0x1a: {  	s8 =	sadd.s32 $0xFFFFE003, lr  }
0x1b: {  	s9 =	sadd.s32 $0xFFFFFEF7, lr;
	s5 =	simm.s32 $0xFFFFFFFF;
	p2 =	slt.u32 s8, $0xFFFFF086  }
0x1c: {  	p1 =	slt.u32 s9, $0xF7A;
	s5 =	simm.s32 @!p2 $0x0  }
0x1d: {  	s5 =	simm.s32 @p1 $0x1;
	p0 =	seq.s32 s7, s2  }
0x1e: {  	s7 =	smul.u32 @!p0 $0xF7A, s2;
	p2 =	seq.s32 @!p0 s5, $0x0  }
0x1f: {  	s9 =	smul.u32 $0xF7A, s1;
	s8 =	simm.s32 @!p0 $0x1BF5;
	p2 =	por !p2, p0  }
0x20: {  	[sflag:s8] =	ssyncset.s32 @!p0 $0xFFFFF086;
	s6 =	sadd.s32 @!p0 s3, s7;
	s7 =	simm.s32 @!p0 $0x108  }
0x21: {  	s3 =	sadd.s32 s3, s9;
	s6 =	sadd.s32 @!p0 $0x88, s6;
	s7 =	simm.s32 @p2 $0x1082  }
0x22: {  	[simem:s7], [sflag:s8] =	dma.local @!p0 [hbm:s6], $0xF7A  }
0x23: {  	s9 =	sor.u32 $0xD0000000, s2;
	s6 =	simm.s32 $0x108;
	_ =	swait.ge @!p0 [sflag:s8], $0x0  }
0x24: {  	s3 =	sadd.s32 $0x88, s3;
	s6 =	simm.s32 @!p1 $0x1082;
	[sflag:s4] =	ssyncset.s32 $0xFFFFF086  }
0x25: {  	[simem:s6], [sflag:s4] =	dma.local [hbm:s3], $0xF7A  }
0x26: {  	[smem:$0x3F99] =	sst s1;
	(tag) =	ssettag s2;
	_ =	strace s9  }
0x27: {  	s1 =	sld [smem:$0x3FA9]  }
0x28: {  	s2 =	sld [smem:$0x3FAA]  }
0x29: {  	s4 =	sld [smem:$0x3FAC]  }
0x2a: {  	p0 =	seq.s32 s5, $0x0;
	s5 =	sld [smem:$0x3FAD]  }
0x2b: {  	s6 =	sld [smem:$0x3FAE]  }
0x2c: {  	s7 =	sld [smem:$0x3FAF]  }
0x2d: {  	s3 =	simm.s32 $0x108;
	s8 =	sld [smem:$0x3FB0]  }
0x2e: {  	s3 =	simm.s32 @!p0 $0x1082;
	s9 =	sld [smem:$0x3FB1]  }
0x2f: {  	lr =	sadd.s32 s0, s3;
	s0 =	sld [smem:$0x3FA8]  }
0x30: {  	s3 =	sld [smem:$0x3FAB]  }
0x31: {  	[smem:$0x3FB4] =	sst s10  }
0x32: {  	s10 =	sld [smem:$0x3FB2];
	_ =	sdelay $0x3  }
0x33: {  	p0 =	seq.s32 s10, $0x1;
	s10 =	sld [smem:$0x3FB4];
	_ =	sdelay $0x3  }
0x34: {  	[smem:$0x3FB4] =	sst s10  }
0x35: {  	s10 =	sld [smem:$0x3FB3];
	_ =	sdelay $0x3  }
0x36: {  	p1 =	seq.s32 s10, $0x1;
	s10 =	sld [smem:$0x3FB4];
	_ =	sdelay $0x3  }
0x37: {  	[smem:$0x3FB4] =	sst s10  }
0x38: {  	s10 =	sld [smem:$0x3FB5]  }
0x39: {  	_ = 	snop;
	(pc) =	sbr.ind lr, $3  }
0x3a: {  	_ = 	snop  }
0x3b: {  	_ = 	snop  }
0x3c: {  	p2 =	seq.s32 s10, $0x1;
	s10 =	sld [smem:$0x3FB4]  }
0x3d: {  	_ =	shalt  }
0x3e: {  	_ =	shalt  }
0x3f: {  	_ =	shalt  }
0x40: {  	_ =	shalt  }
0x41: {  	_ =	shalt  }
0x42: {  	_ =	shalt  }
0x43: {  	_ =	shalt  }
0x44: {  	_ =	shalt  }
0x45: {  	_ =	shalt  }
0x46: {  	_ =	shalt  }
0x47: {  	_ =	shalt  }
0x48: {  	_ =	shalt  }
0x49: {  	_ =	shalt  }
0x4a: {  	_ =	shalt  }
0x4b: {  	_ =	shalt  }
0x4c: {  	_ =	shalt  }
0x4d: {  	_ =	shalt  }
0x4e: {  	_ =	shalt  }
0x4f: {  	_ =	shalt  }
0x50: {  	_ =	shalt  }
0x51: {  	_ =	shalt  }
0x52: {  	_ =	shalt  }
0x53: {  	_ =	shalt  }
0x54: {  	_ =	shalt  }
0x55: {  	_ =	shalt  }
0x56: {  	_ =	shalt  }
0x57: {  	_ =	shalt  }
0x58: {  	_ =	shalt  }
0x59: {  	_ =	shalt  }
0x5a: {  	_ =	shalt  }
0x5b: {  	_ =	shalt  }
0x5c: {  	_ =	shalt  }
0x5d: {  	_ =	shalt  }
0x5e: {  	_ =	shalt  }
0x5f: {  	_ =	shalt  }
0x60: {  	_ =	shalt  }
0x61: {  	_ =	shalt  }
0x62: {  	_ =	shalt  }
0x63: {  	_ =	shalt  }
0x64: {  	_ =	shalt  }
0x65: {  	_ =	shalt  }
0x66: {  	_ =	shalt  }
0x67: {  	_ =	shalt  }
0x68: {  	_ =	shalt  }
0x69: {  	_ =	shalt  }
0x6a: {  	_ =	shalt  }
0x6b: {  	_ =	shalt  }
0x6c: {  	_ =	shalt  }
0x6d: {  	_ =	shalt  }
0x6e: {  	_ =	shalt  }
0x6f: {  	_ =	shalt  }
0x70: {  	_ =	shalt  }
0x71: {  	_ =	shalt  }
0x72: {  	_ =	shalt  }
0x73: {  	_ =	shalt  }
0x74: {  	_ =	shalt  }
0x75: {  	_ =	shalt  }
0x76: {  	_ =	shalt  }
0x77: {  	_ =	shalt  }
0x78: {  	_ =	shalt  }
0x79: {  	_ =	shalt  }
0x7a: {  	_ =	shalt  }
0x7b: {  	_ =	shalt  }
0x7c: {  	_ =	shalt  }
0x7d: {  	_ =	shalt  }
0x7e: {  	_ =	shalt  }
0x7f: {  	_ =	shalt  }
0x80: {  	_ =	shalt  }
0x81: {  	_ =	shalt  }
0x82: {  	_ =	shalt  }
0x83: {  	_ =	shalt  }
0x84: {  	_ =	shalt  }
0x85: {  	_ =	shalt  }
0x86: {  	_ =	shalt  }
0x87: {  	_ =	shalt  }
.Lfunc_end0:
.L_simem_size_0:
called_computation.1_lowered:
.L_overlay_start_0:
0x88: {  	s2 =	sld [smem:$0x3FD9]  }
0x89: {  	s3 =	sld [smem:$0x3FFE];
	_ =	sdelay $0x1  }
0x8a: {  	s1 =	srdreg.scid  }
0x8b: {  	s0 =	sand.u32 $0x1, s1  }
0x8c: {  	s17 =	sshll.u32 s0, $0xA;
	s2 =	sadd.s32 s3, s2  }
0x8d: {  	s2 =	sadd.s32 s2, s17  }
0x8e: {  	[smem:$0x3FC0] =	sst s2  }
0x8f: {  	_ = 	snop  }
0x90: {  	s18 =	sld [smem:$0x3FD0];
	(tm) =	ssettm $0x1  }
0x91: {  	s19 =	sld [smem:$0x3FFB];
	_ =	sdelay $0x3  }
0x92: {  	_ =	strace s19  }
0x93: {  	s2 =	sld [smem:$0x3FFC];
	_ =	sdelay $0x3  }
0x94: {  	_ =	strace s2  }
0x95: {  	s2 =	sld [smem:$0x3FFD];
	_ =	sdelay $0x3  }
0x96: {  	_ =	strace s2  }
0x97: {  	_ =	strace $0x8FFFFFFF  }
0x98: {  	s20 =	sld [smem:$0x3FDB];
	_ =	sdelay $0x1  }
0x99: {  	s4 =	simm.s32 $_scs_section_size  }
0x9a: {  	s5 =	simm.s32 $_size__tile_overlayer_lowered;
	s6 =	simm.s32 $_tile_overlayer_lowered  }
0x9b: {  	s7 =	simm.s32 $0x1BFF;
	s21 =	sshll.u32 s6, $0x1;
	s4 =	sadd.s32 s4, s20  }
0x9c: {  	s22 =	simm.s32 $0x0;
	s5 =	sshll.u32 s5, $0x1;
	s6 =	sadd.s32 s21, s4  }
0x9d: {  	[timem:s22], [sflag:s7] =	dma.local [hbm:s6], s5  }
0x9e: {  	_ =	swait.ge [sflag:s7], s5  }
0x9f: {  	s5 =	ssub.s32 $0x0, s5;
	[sflag:s7] =	ssyncset.done $0x0  }
0xa0: {  	[sflag:s7] =	ssyncadd.s32 s5;
	_ =	sdelay $0x1  }
0xa1: {  	s23 =	simm.s32 $0x1B8B  }
0xa2: {  	_ =	swait.ge [sflag:s23], $0x1  }
0xa3: {  	[sflag:s23] =	ssyncset.done $0x0  }
0xa4: {  	[sflag:s23] =	ssyncadd.s32 $0xFFFFFFFF  }
0xa5: {  	s5 =	sld [smem:$0x0]  }
0xa6: {  	s6 =	sand.u32 $0xFFFFFFFE, s1  }
0xa7: {  	p0 =	sne.s32 s1, s6  }
0xa8: {  	s6 =	sshll.u32 @p0 s6, $0xE  }
0xa9: {  	s6 =	sadd.s32 @p0 $0x11B8D, s6;
	s7 =	sshll.u32 @p0 s5, $0x11  }
0xaa: {  	s6 =	sor.u32 @p0 s7, s6  }
0xab: {  	[sflag:s6] =	ssyncadd.remote.s32 @p0 $0x1;
	_ =	sdelay $0x1  }
0xac: {  	s6 =	simm.s32 @p0 $0x1B8D  }
0xad: {  	_ =	swait.eq @p0 [sflag:s6], $0x1  }
0xae: {  	[sflag:s6] =	ssyncadd.s32 @p0 $0xFFFFFFFF  }
0xaf: {  	s7 =	sshll.u32 @!p0 s1, $0xE  }
0xb0: {  	s7 =	sor.u32 @!p0 $0x4000, s7;
	s6 =	simm.s32 @!p0 $0x1B8D  }
0xb1: {  	s5 =	sshll.u32 @!p0 s5, $0x11;
	s7 =	sadd.s32 @!p0 $0x11B8D, s7;
	_ =	swait.eq @!p0 [sflag:s6], $0x1  }
0xb2: {  	s5 =	sor.u32 @!p0 s5, s7;
	[sflag:s6] =	ssyncadd.s32 @!p0 $0xFFFFFFFF  }
0xb3: {  	s25 =	simm.s32 $0x1B8E;
	s24 =	sld [smem:$0x3FFE];
	[sflag:s5] =	ssyncadd.remote.s32 @!p0 $0x1  }
0xb4: {  	s26 =	simm.s32 $execute0_lowered;
	[smem:$0x3FD2] =	sst s25  }
0xb5: {  	s6 =	sshll.u32 s26, $0x1;
	_ =	strace $0x80000049;
	[dreg:$0x1] =	wrdreg $0xFFFFFFFF  }
0xb6: {  	s28 =	simm.s32 $_size_execute0_lowered;
	s4 =	sadd.s32 s4, s6;
	[dreg:$0x0] =	wrdreg $0x0  }
0xb7: {  	s6 =	sshll.u32 s28, $0x1;
	[dreg:$0x2] =	wrdreg s4  }
0xb8: {  	[dreg:$0x3] =	wrdreg s6  }
0xb9: {  	[dreg:$0x4] =	wrdreg $0xC0  }
0xba: {  	_ =	task [dreg:s22], $0x5FFFF  }
0xbb: {  	[dreg:$0x1] =	wrdreg $0xFFFFFFFF  }
0xbc: {  	[dreg:$0x0] =	wrdreg $0x60  }
0xbd: {  	[dreg:$0x2] =	wrdreg s18  }
0xbe: {  	[dreg:$0x3] =	wrdreg s24  }
0xbf: {  	[dreg:$0x4] =	wrdreg $0xC6200  }
0xc0: {  	[dreg:$0x5] =	wrdreg $0xA  }
0xc1: {  	_ =	task.clear_ibuf [dreg:s22], $0x6FFFF;
	_ =	strace $0x90000049  }
0xc2: {  	s29 =	simm.s32 $0xA;
	_ =	strace $0x8000004B  }
0xc3: {  	_ =	swait.ge [sflag:s29], $0x1  }
0xc4: {  	[sflag:s29] =	ssyncadd.s32 $0xFFFFFFFF  }
0xc5: {  	_ =	strace $0x9000004B  }
0xc6: {  	_ =	sfence  }
0xc7: {  	s30 =	sld [smem:$0x0];
	_ =	sdelay $0x2  }
0xc8: {  	s31 =	sshll.u32 s1, $0xD;
	s1 =	sshrl.u32 s1, $0x2  }
0xc9: {  	s4 =	sand.u32 $0x4000, s31;
	s1 =	sadd.s32 s1, s30  }
0xca: {  	s0 =	sor.u32 s4, s0;
	s1 =	sshll.u32 s1, $0x11  }
0xcb: {  	s0 =	sor.u32 s1, s0  }
0xcc: {  	s0 =	sadd.s32 $0x8F2B, s0  }
0xcd: {  	[sflag:s0] =	ssyncadd.remote.s32 $0x1  }
0xce: {  	_ =	sfence.sel $0xFFFF  }
0xcf: {  	[dreg:$0x0] =	wrdreg $0xFFFFFFFF;
	(pc) =	sbr.abs _section_cstart, $3  }
0xd0: {  	[dreg:$0x1] =	wrdreg $0xFFFFFFFF  }
0xd1: {  	_ =	task.clear_ibuf [dreg:s22], $0x2FFFF;
	_ =	strace $0x9FFFFFFF  }
0xd2: {  	(tm) =	ssettm $0x7FFFFFFF  }
0xd3: {  	_ =	shalt  }
tec
execute0_lowered:
.L_overlay_start_1:
0x0: {  	(tag) =	ssettag $0x1  }
0x1: {  	s14 =	rddreg [dreg:$0x0]  }
0x2: {  	s5 =	rddreg [dreg:$0x1]  }
0x3: {  	s2 =	rddreg [dreg:$0x2]  }
0x4: {  	s3 =	simm.s32 $0x0;
	s1 =	stileid.u32;
	s7 =	srdreg.scid  }
0x5: {  	s19 =	simm.s32 $0x2;
	s20 =	simm.s32 $0x78;
	s21 =	simm.s32 $0x4E20  }
0x6: {  	s22 =	simm.s32 $0x4D80;
	s23 =	simm.s32 $0x28;
	s24 =	simm.s32 $0x26E8  }
0x7: {  	s25 =	simm.s32 $0x4DF8;
	s26 =	simm.s32 $0x0;
	[smem:$0x7FF] =	sst s3  }
0x8: {  	s6 =	smul.u32 $0x2710, s1;
	s4 =	sadd.s32 $0x18400, s5;
	s12 =	sand.u32 $0x1, s7  }
0x9: {  	s8 =	smul.u32 $0x4E200, s1;
	s13 =	sadd.s32 $0x3F600, s5;
	s15 =	sadd.s32 $0x66800, s5  }
0xa: {  	s17 =	smul.u32 $0x13880, s1;
	_ =	strace $0x8000004A;
	s7 =	ssub.s32 $0x2, s12  }
0xb: {  	p0 =	seq.s32 s12, $0x0;
	s6 =	sshrl.u32 s6, $0x3;
	s30 =	sshrl.u32 s7, $0x1  }
0xc: {  	s31 =	sshrl.u32 s8, $0x2;
	s15 =	smov.u32 @p0 s13;
	s4 =	smov.u32 @p0 s14  }
0xd: {  	s6 =	sadd.s32 s6, s5;
	s16 =	ssub.s32 s7, s30;
	s18 =	sadd.s32 s31, s2  }
0xe: {  	s7 =	sadd.s32 s17, s2;
	s17 =	sshrl.u32 s17, $0x3;
	s5 =	sadd.s32 $0x4600, s6  }
0xf: {  	s6 =	sadd.s32 $0x9420, s6;
	s8 =	sadd.s32 $0x3C00, s18;
	s9 =	sadd.s32 $0x7800, s18  }
0x10: {  	s10 =	sadd.s32 $0xB400, s18;
	s11 =	sadd.s32 $0xF000, s18;
	s12 =	sadd.s32 $0x12C00, s18  }
0x11: {  	s13 =	smax.u32 s16, $0x1;
	s14 =	sadd.s32 s15, s17;
	s15 =	simm.s32 $0x2710  }
0x12: {  	v0 =	vimm.f32 $0.0e+00;
	s16 =	simm.s32 $0x8A20;
	s17 =	simm.s32 $0x3;
	s18 =	simm.s32 $0x1  }
.LBB2_1:
0x13: {  	[tilespmem:s3], [sflag:$0x1] =	stream.linear.gather [hbm4b:s5+s3], $0x2710, $0x38;
	[tilespmem:$0x1FEA0] =	vst v63  }
0x14: {  	s28 =	simm.s32 $0x70;
	s29 =	simm.s32 $0x3C0  }
0x15: {  	[tilespmem:s15], [sflag:$0x2] =	stream.linear.gather [hbm4b:s6+s3], $0x2710, $0x38;
	[tilespmem:$0x1FEA0] =	vst v63  }
.LBB2_2:
0x16: {  	p0 =	sne.s32 s29, $0xEFC0;
	[tilespmem:s28+$0x8A20] =	vst v0  }
0x17: {  	[tilespmem:s28+$0x89B0] =	vst v0  }
0x18: {  	[tilespmem:s28+$0x89C0] =	vst v0  }
.Ltmp0:
0x19: {  	[tilespmem:s28+$0x89D0] =	vst v0;
	(pc) =	sbr.rel @p0 .LBB2_2-.Ltmp0, $4  }
0x1a: {  	[tilespmem:s28+$0x89E0] =	vst v0  }
0x1b: {  	[tilespmem:s28+$0x89F0] =	vst v0  }
0x1c: {  	[tilespmem:s28+$0x8A00] =	vst v0  }
0x1d: {  	[tilespmem:s28+$0x8A10] =	vst v0;
	s28 =	sshra.s32 s29, $0x2;
	s29 =	sadd.s32 $0x200, s29  }
0x1e: {  	[tilespmem:s28+$0x8A20] =	vst v0  }
0x1f: {  	[tilespmem:s28+$0x89B0] =	vst v0  }
0x20: {  	[tilespmem:s28+$0x89C0] =	vst v0  }
0x21: {  	[tilespmem:s28+$0x89D0] =	vst v0  }
0x22: {  	[tilespmem:s28+$0x89E0] =	vst v0  }
0x23: {  	[tilespmem:s28+$0x89F0] =	vst v0  }
0x24: {  	[tilespmem:s28+$0x8A00] =	vst v0  }
0x25: {  	[tilespmem:s28+$0x8A10] =	vst v0  }
0x26: {  	[spmem:s7] =	stream.linear.scatter [tilespmem:s16], [sflag:$0x3], $0x3C00, $0x38;
	[tilespmem:$0x1FEA0] =	vst v63  }
0x27: {  	_ =	swait.ge [sflag:s17], $0x3C00  }
0x28: {  	[sflag:s17] =	ssyncset.done $0x0  }
0x29: {  	[sflag:s17] =	ssyncadd.s32 $0xFFFFC400  }
0x2a: {  	[spmem:s8] =	stream.linear.scatter [tilespmem:s16], [sflag:$0x3], $0x3C00, $0x38;
	[tilespmem:$0x1FEA0] =	vst v63  }
0x2b: {  	_ =	swait.ge [sflag:s17], $0x3C00  }
0x2c: {  	[sflag:s17] =	ssyncset.done $0x0  }
0x2d: {  	[sflag:s17] =	ssyncadd.s32 $0xFFFFC400  }
0x2e: {  	[spmem:s9] =	stream.linear.scatter [tilespmem:s16], [sflag:$0x3], $0x3C00, $0x38;
	[tilespmem:$0x1FEA0] =	vst v63  }
0x2f: {  	_ =	swait.ge [sflag:s17], $0x3C00  }
0x30: {  	[sflag:s17] =	ssyncset.done $0x0  }
0x31: {  	[sflag:s17] =	ssyncadd.s32 $0xFFFFC400  }
0x32: {  	[spmem:s10] =	stream.linear.scatter [tilespmem:s16], [sflag:$0x3], $0x3C00, $0x38;
	[tilespmem:$0x1FEA0] =	vst v63  }
0x33: {  	_ =	swait.ge [sflag:s17], $0x3C00  }
0x34: {  	[sflag:s17] =	ssyncset.done $0x0  }
0x35: {  	[sflag:s17] =	ssyncadd.s32 $0xFFFFC400  }
0x36: {  	[spmem:s11] =	stream.linear.scatter [tilespmem:s16], [sflag:$0x3], $0x3C00, $0x38;
	[tilespmem:$0x1FEA0] =	vst v63  }
0x37: {  	_ =	swait.ge [sflag:s17], $0x3C00  }
0x38: {  	[sflag:s17] =	ssyncset.done $0x0  }
0x39: {  	[sflag:s17] =	ssyncadd.s32 $0xFFFFC400  }
0x3a: {  	[spmem:s12] =	stream.linear.scatter [tilespmem:s16], [sflag:$0x3], $0xC80, $0x38;
	[tilespmem:$0x1FEA0] =	vst v63  }
0x3b: {  	_ =	swait.ge [sflag:s17], $0xC80  }
0x3c: {  	[sflag:s17] =	ssyncset.done $0x0  }
0x3d: {  	[sflag:s17] =	ssyncadd.s32 $0xFFFFF380  }
0x3e: {  	_ =	swait.ge [sflag:s18], $0x2710  }
0x3f: {  	[sflag:s18] =	ssyncset.done $0x0  }
0x40: {  	[sflag:s18] =	ssyncadd.s32 $0xFFFFD8F0  }
0x41: {  	_ =	swait.ge [sflag:s19], $0x2710  }
0x42: {  	[sflag:s19] =	ssyncset.done $0x0  }
0x43: {  	s28 =	simm.s32 $0x0;
	[sflag:s19] =	ssyncadd.s32 $0xFFFFD8F0  }
0x44: {  	[tilespmem:s21], [sflag:$0x1] =	stream.indirect.gather [hbm4b:s4+s20], $0x80, s28, s20, $0xb8;
	[tilespmem:$0x1FEA0] =	vst v63  }
0x45: {  	s28 =	simm.s32 $0x78;
	[bflag:$0x0] =	sbarrier.arrive $0xFFFF  }
0x46: {  	[tilespmem:s16], [sflag:$0x2] =	stream.indirect.gather [hbm4b:s4+s20], $0x80, s28, s20, $0xb8;
	[tilespmem:$0x1FEA0] =	vst v63  }
0x47: {  	_ =	swait.ge [sflag:s18], $0x3C00  }
0x48: {  	[sflag:s18] =	ssyncset.done $0x0  }
0x49: {  	s28 =	simm.s32 $0x2710;
	[sflag:s18] =	ssyncadd.s32 $0xFFFFC400  }
0x4a: {  	[spmem:s2] =	stream.indirect.scatter.add.f32 [tilespmem:s21], [sflag:$0x3], $0x80, s28, s20, $0xb8;
	[tilespmem:$0x1FEA0] =	vst v63  }
0x4b: {  	_ =	swait.ge [sflag:s17], $0x3C00  }
0x4c: {  	[sflag:s17] =	ssyncset.done $0x0  }
0x4d: {  	s28 =	simm.s32 $0xF0;
	[sflag:s17] =	ssyncadd.s32 $0xFFFFC400  }
0x4e: {  	[tilespmem:s21], [sflag:$0x1] =	stream.indirect.gather [hbm4b:s4+s20], $0x80, s28, s20, $0xb8;
	[tilespmem:$0x1FEA0] =	vst v63  }
0x4f: {  	_ =	swait.ge [sflag:s19], $0x3C00  }
0x50: {  	[sflag:s19] =	ssyncset.done $0x0  }
0x51: {  	s28 =	simm.s32 $0x2788;
	[sflag:s19] =	ssyncadd.s32 $0xFFFFC400  }
0x52: {  	[spmem:s2] =	stream.indirect.scatter.add.f32 [tilespmem:s16], [sflag:$0x3], $0x80, s28, s20, $0xb8;
	[tilespmem:$0x1FEA0] =	vst v63  }
0x53: {  	_ =	swait.ge [sflag:s17], $0x3C00  }
0x54: {  	s29 =	simm.s32 $0x780;
	s28 =	simm.s32 $0xF0;
	[sflag:s17] =	ssyncset.done $0x0  }
.LBB2_4:
0x55: {  	s30 =	sadd.s32 $0x78, s28  }
0x56: {  	[sflag:s17] =	ssyncadd.s32 $0xFFFFC400;
	s31 =	smov.u32 s29;
	s0 =	sadd.s32 $0x3C0, s29  }
0x57: {  	[tilespmem:s16], [sflag:$0x2] =	stream.indirect.gather [hbm4b:s4+s20], $0x80, s30, s20, $0xb8;
	[tilespmem:$0x1FEA0] =	vst v63  }
0x58: {  	p0 =	sne.s32 s29, $0x9600;
	_ =	swait.ge [sflag:s18], $0x3C00  }
0x59: {  	[sflag:s18] =	ssyncset.done $0x0  }
0x5a: {  	s29 =	sadd.s32 $0x2710, s28;
	[sflag:s18] =	ssyncadd.s32 $0xFFFFC400  }
0x5b: {  	[spmem:s2] =	stream.indirect.scatter.add.f32 [tilespmem:s21], [sflag:$0x3], $0x80, s29, s20, $0xb8;
	[tilespmem:$0x1FEA0] =	vst v63  }
0x5c: {  	_ =	swait.ge [sflag:s17], $0x3C00  }
0x5d: {  	[sflag:s17] =	ssyncset.done $0x0  }
0x5e: {  	s29 =	sadd.s32 $0xF0, s28;
	[sflag:s17] =	ssyncadd.s32 $0xFFFFC400  }
0x5f: {  	[tilespmem:s21], [sflag:$0x1] =	stream.indirect.gather [hbm4b:s4+s20], $0x80, s29, s20, $0xb8;
	[tilespmem:$0x1FEA0] =	vst v63  }
0x60: {  	_ =	swait.ge [sflag:s19], $0x3C00  }
.Ltmp1:
0x61: {  	[sflag:s19] =	ssyncset.done $0x0;
	(pc) =	sbr.rel @p0 .LBB2_4-.Ltmp1, $4  }
0x62: {  	s28 =	sadd.s32 $0x2788, s28;
	[sflag:s19] =	ssyncadd.s32 $0xFFFFC400  }
0x63: {  	[spmem:s2] =	stream.indirect.scatter.add.f32 [tilespmem:s16], [sflag:$0x3], $0x80, s28, s20, $0xb8;
	[tilespmem:$0x1FEA0] =	vst v63  }
0x64: {  	_ =	swait.ge [sflag:s17], $0x3C00  }
0x65: {  	s29 =	smov.u32 s0;
	s28 =	sshra.s32 s31, $0x2;
	[sflag:s17] =	ssyncset.done $0x0  }
0x66: {  	s0 =	sadd.s32 $0x78, s28;
	[sflag:s17] =	ssyncadd.s32 $0xFFFFC400  }
0x67: {  	[tilespmem:s16], [sflag:$0x2] =	stream.indirect.gather [hbm4b:s4+s20], $0x80, s0, s20, $0xb8;
	[tilespmem:$0x1FEA0] =	vst v63  }
0x68: {  	_ =	swait.ge [sflag:s18], $0x3C00  }
0x69: {  	[sflag:s18] =	ssyncset.done $0x0  }
0x6a: {  	s30 =	sadd.s32 $0x2710, s28;
	[sflag:s18] =	ssyncadd.s32 $0xFFFFC400  }
0x6b: {  	[spmem:s2] =	stream.indirect.scatter.add.f32 [tilespmem:s21], [sflag:$0x3], $0x80, s30, s20, $0xb8;
	[tilespmem:$0x1FEA0] =	vst v63  }
0x6c: {  	_ =	swait.ge [sflag:s17], $0x3C00  }
0x6d: {  	[sflag:s17] =	ssyncset.done $0x0  }
0x6e: {  	s31 =	sadd.s32 $0xF0, s28;
	[sflag:s17] =	ssyncadd.s32 $0xFFFFC400  }
0x6f: {  	[tilespmem:s21], [sflag:$0x1] =	stream.indirect.gather [hbm4b:s4+s20], $0x80, s31, s20, $0xb8;
	[tilespmem:$0x1FEA0] =	vst v63  }
0x70: {  	_ =	swait.ge [sflag:s19], $0x3C00  }
0x71: {  	[sflag:s19] =	ssyncset.done $0x0  }
0x72: {  	s29 =	sadd.s32 $0x2788, s28;
	[sflag:s19] =	ssyncadd.s32 $0xFFFFC400  }
0x73: {  	[spmem:s2] =	stream.indirect.scatter.add.f32 [tilespmem:s16], [sflag:$0x3], $0x80, s29, s20, $0xb8;
	[tilespmem:$0x1FEA0] =	vst v63  }
0x74: {  	_ =	swait.ge [sflag:s17], $0x3C00  }
0x75: {  	[sflag:s17] =	ssyncset.done $0x0  }
0x76: {  	[sflag:s17] =	ssyncadd.s32 $0xFFFFC400  }
0x77: {  	_ =	swait.ge [sflag:s18], $0x3C00  }
0x78: {  	[sflag:s18] =	ssyncset.done $0x0  }
0x79: {  	[sflag:s18] =	ssyncadd.s32 $0xFFFFC400  }
0x7a: {  	[spmem:s2] =	stream.indirect.scatter.add.f32 [tilespmem:s21], [sflag:$0x3], $0x80, s22, s20, $0xb8;
	[tilespmem:$0x1FEA0] =	vst v63  }
0x7b: {  	_ =	swait.ge [sflag:s17], $0x3C00  }
0x7c: {  	[sflag:s17] =	ssyncset.done $0x0  }
0x7d: {  	[sflag:s17] =	ssyncadd.s32 $0xFFFFC400  }
0x7e: {  	[tilespmem:s16], [sflag:$0x2] =	stream.indirect.gather [hbm4b:s4+s23], $0x80, s24, s23, $0xb8;
	[tilespmem:$0x1FEA0] =	vst v63  }
0x7f: {  	_ =	swait.ge [sflag:s19], $0x1400  }
0x80: {  	[sflag:s19] =	ssyncset.done $0x0  }
0x81: {  	[sflag:s19] =	ssyncadd.s32 $0xFFFFEC00  }
0x82: {  	[spmem:s2] =	stream.indirect.scatter.add.f32 [tilespmem:s16], [sflag:$0x3], $0x80, s25, s23, $0xb8;
	[tilespmem:$0x1FEA0] =	vst v63  }
0x83: {  	_ =	swait.ge [sflag:s17], $0x1400  }
0x84: {  	s26 =	sadd.s32 $0x1, s26;
	s30 =	sshll.u32 s1, $0x6;
	[sflag:s17] =	ssyncset.done $0x0  }
0x85: {  	p0 =	sne.s32 s26, s13;
	s0 =	sor.u32 $0x1C03, s30;
	[sflag:s17] =	ssyncadd.s32 $0xFFFFEC00  }
.Ltmp2:
0x86: {  	s31 =	sshrl.u32 s7, $0x3;
	[bflag:$0x0] =	sbarrier.arrive $0xFFFF;
	(pc) =	sbr.rel @p0 .LBB2_1-.Ltmp2, $4  }
0x87: {  	[hbm:s14], [sflag:s0] =	dma.local [spmem:s31], $0x2710  }
0x88: {  	_ =	swait.ge [sflag:s17], $0x2710  }
0x89: {  	[sflag:s17] =	ssyncset.done $0x0  }
0x8a: {  	[sflag:s17] =	ssyncadd.s32 $0xFFFFD8F0  }
0x8b: {  	_ =	sfence.sel $0x180000  }
0x8c: {  	[bflag:$0x0] =	sbarrier.arrive $0xFFFF  }
0x8d: {  	_ =	strace $0x9000004A  }
0x8e: {  	[bflag:$0x2] =	sbarrier.arrive $0xFFFF  }
0x8f: {  	p0 =	sne.s32 s1, $0x0;
	s0 =	rddreg [dreg:$0x3]  }
0x90: {  	s0 =	sadd.s32 @!p0 $0x100000, s0  }
0x91: {  	[sflag:s0] =	ssyncadd.tile.s32 @!p0 $0x1;
	_ =	shalt  }
.Lfunc_end2:
_tile_overlayer_lowered:
.L_overlay_start_2:
0x92: {  	(tag) =	ssettag $0x2  }
0x93: {  	s0 =	rddreg [dreg:$0x0];
	s2 =	stileid.u32  }
0x94: {  	s1 =	rddreg [dreg:$0x1];
	p0 =	sne.s32 s2, $0x0  }
0x95: {  	s3 =	rddreg [dreg:$0x2];
	[bflag:$0x3] =	sbarrier.arrive $0xFFFF;
	s2 =	simm.s32 @!p0 $0x1C03  }
0x96: {  	[timem:s3], [sflag:s2] =	dma.local @!p0 [hbm:s0], s1  }
0x97: {  	s0 =	simm.s32 @!p0 $0x3  }
0x98: {  	_ =	swait.ge @!p0 [sflag:s0], s1  }
0x99: {  	s1 =	ssub.s32 @!p0 $0x0, s1;
	[sflag:s0] =	ssyncset.done @!p0 $0x0  }
0x9a: {  	[sflag:s0] =	ssyncadd.s32 @!p0 s1  }
0x9b: {  	[bflag:$0x3] =	sbarrier.arrive $0xFFFF  }
0x9c: {  	_ =	shalt  }

// kernel: kernel.14.cloned.1.call-start
scs
__scs_entry_jumppad:
0x0: {  	(pc) =	sbr.rel $0x88, $3  }
0x1: {  	(tag) =	ssettag $0x0;
	lr =	simm.s32 $0x1  }
0x2: {  	[smem:$0x3F99] =	sst lr;
	_ =	strace $0xD0000000  }
0x3: {  	_ = 	snop  }
0x4: {  	_ = 	snop  }
0x5: {  	_ = 	snop  }
0x6: {  	_ = 	snop  }
0x7: {  	_ = 	snop  }
__scs_overlays_trampoline_lowered:
0x8: {  	[smem:$0x3FA8] =	sst s0  }
0x9: {  	[smem:$0x3FA9] =	sst s1  }
0xa: {  	[smem:$0x3FAA] =	sst s2  }
0xb: {  	[smem:$0x3FAB] =	sst s3  }
0xc: {  	[smem:$0x3FAC] =	sst s4  }
0xd: {  	[smem:$0x3FAD] =	sst s5  }
0xe: {  	[smem:$0x3FAE] =	sst s6  }
0xf: {  	[smem:$0x3FAF] =	sst s7  }
0x10: {  	[smem:$0x3FB0] =	sst s8  }
0x11: {  	[smem:$0x3FB1] =	sst s9;
	s0 =	simm.s32 @!p0 $0x0  }
0x12: {  	s1 =	sld [smem:$0x3F97];
	s0 =	simm.s32 @p0 $0x1  }
0x13: {  	[smem:$0x3FB2] =	sst s0;
	s0 =	simm.s32 @!p1 $0x0  }
0x14: {  	s2 =	sld [smem:$0x3F96];
	s0 =	simm.s32 @p1 $0x1  }
0x15: {  	[smem:$0x3FB3] =	sst s0;
	s0 =	simm.s32 @!p2 $0x0  }
0x16: {  	s3 =	sld [smem:$0x3FDB];
	s0 =	simm.s32 @p2 $0x1  }
0x17: {  	s4 =	simm.s32 $0x1BF5;
	[smem:$0x3FB5] =	sst s0  }
0x18: {  	s0 =	sld [smem:$0x3F98];
	_ =	swait.ge [sflag:s4], $0x0  }
0x19: {  	s7 =	sld [smem:$0x3F99]  }
0x1a: {  	s8 =	sadd.s32 $0xFFFFE003, lr  }
0x1b: {  	s9 =	sadd.s32 $0xFFFFFEF7, lr;
	s5 =	simm.s32 $0xFFFFFFFF;
	p2 =	slt.u32 s8, $0xFFFFF086  }
0x1c: {  	p1 =	slt.u32 s9, $0xF7A;
	s5 =	simm.s32 @!p2 $0x0  }
0x1d: {  	s5 =	simm.s32 @p1 $0x1;
	p0 =	seq.s32 s7, s2  }
0x1e: {  	s7 =	smul.u32 @!p0 $0xF7A, s2;
	p2 =	seq.s32 @!p0 s5, $0x0  }
0x1f: {  	s9 =	smul.u32 $0xF7A, s1;
	s8 =	simm.s32 @!p0 $0x1BF5;
	p2 =	por !p2, p0  }
0x20: {  	[sflag:s8] =	ssyncset.s32 @!p0 $0xFFFFF086;
	s6 =	sadd.s32 @!p0 s3, s7;
	s7 =	simm.s32 @!p0 $0x108  }
0x21: {  	s3 =	sadd.s32 s3, s9;
	s6 =	sadd.s32 @!p0 $0x88, s6;
	s7 =	simm.s32 @p2 $0x1082  }
0x22: {  	[simem:s7], [sflag:s8] =	dma.local @!p0 [hbm:s6], $0xF7A  }
0x23: {  	s9 =	sor.u32 $0xD0000000, s2;
	s6 =	simm.s32 $0x108;
	_ =	swait.ge @!p0 [sflag:s8], $0x0  }
0x24: {  	s3 =	sadd.s32 $0x88, s3;
	s6 =	simm.s32 @!p1 $0x1082;
	[sflag:s4] =	ssyncset.s32 $0xFFFFF086  }
0x25: {  	[simem:s6], [sflag:s4] =	dma.local [hbm:s3], $0xF7A  }
0x26: {  	[smem:$0x3F99] =	sst s1;
	(tag) =	ssettag s2;
	_ =	strace s9  }
0x27: {  	s1 =	sld [smem:$0x3FA9]  }
0x28: {  	s2 =	sld [smem:$0x3FAA]  }
0x29: {  	s4 =	sld [smem:$0x3FAC]  }
0x2a: {  	p0 =	seq.s32 s5, $0x0;
	s5 =	sld [smem:$0x3FAD]  }
0x2b: {  	s6 =	sld [smem:$0x3FAE]  }
0x2c: {  	s7 =	sld [smem:$0x3FAF]  }
0x2d: {  	s3 =	simm.s32 $0x108;
	s8 =	sld [smem:$0x3FB0]  }
0x2e: {  	s3 =	simm.s32 @!p0 $0x1082;
	s9 =	sld [smem:$0x3FB1]  }
0x2f: {  	lr =	sadd.s32 s0, s3;
	s0 =	sld [smem:$0x3FA8]  }
0x30: {  	s3 =	sld [smem:$0x3FAB]  }
0x31: {  	[smem:$0x3FB4] =	sst s10  }
0x32: {  	s10 =	sld [smem:$0x3FB2];
	_ =	sdelay $0x3  }
0x33: {  	p0 =	seq.s32 s10, $0x1;
	s10 =	sld [smem:$0x3FB4];
	_ =	sdelay $0x3  }
0x34: {  	[smem:$0x3FB4] =	sst s10  }
0x35: {  	s10 =	sld [smem:$0x3FB3];
	_ =	sdelay $0x3  }
0x36: {  	p1 =	seq.s32 s10, $0x1;
	s10 =	sld [smem:$0x3FB4];
	_ =	sdelay $0x3  }
0x37: {  	[smem:$0x3FB4] =	sst s10  }
0x38: {  	s10 =	sld [smem:$0x3FB5]  }
0x39: {  	_ = 	snop;
	(pc) =	sbr.ind lr, $3  }
0x3a: {  	_ = 	snop  }
0x3b: {  	_ = 	snop  }
0x3c: {  	p2 =	seq.s32 s10, $0x1;
	s10 =	sld [smem:$0x3FB4]  }
0x3d: {  	_ =	shalt  }
0x3e: {  	_ =	shalt  }
0x3f: {  	_ =	shalt  }
0x40: {  	_ =	shalt  }
0x41: {  	_ =	shalt  }
0x42: {  	_ =	shalt  }
0x43: {  	_ =	shalt  }
0x44: {  	_ =	shalt  }
0x45: {  	_ =	shalt  }
0x46: {  	_ =	shalt  }
0x47: {  	_ =	shalt  }
0x48: {  	_ =	shalt  }
0x49: {  	_ =	shalt  }
0x4a: {  	_ =	shalt  }
0x4b: {  	_ =	shalt  }
0x4c: {  	_ =	shalt  }
0x4d: {  	_ =	shalt  }
0x4e: {  	_ =	shalt  }
0x4f: {  	_ =	shalt  }
0x50: {  	_ =	shalt  }
0x51: {  	_ =	shalt  }
0x52: {  	_ =	shalt  }
0x53: {  	_ =	shalt  }
0x54: {  	_ =	shalt  }
0x55: {  	_ =	shalt  }
0x56: {  	_ =	shalt  }
0x57: {  	_ =	shalt  }
0x58: {  	_ =	shalt  }
0x59: {  	_ =	shalt  }
0x5a: {  	_ =	shalt  }
0x5b: {  	_ =	shalt  }
0x5c: {  	_ =	shalt  }
0x5d: {  	_ =	shalt  }
0x5e: {  	_ =	shalt  }
0x5f: {  	_ =	shalt  }
0x60: {  	_ =	shalt  }
0x61: {  	_ =	shalt  }
0x62: {  	_ =	shalt  }
0x63: {  	_ =	shalt  }
0x64: {  	_ =	shalt  }
0x65: {  	_ =	shalt  }
0x66: {  	_ =	shalt  }
0x67: {  	_ =	shalt  }
0x68: {  	_ =	shalt  }
0x69: {  	_ =	shalt  }
0x6a: {  	_ =	shalt  }
0x6b: {  	_ =	shalt  }
0x6c: {  	_ =	shalt  }
0x6d: {  	_ =	shalt  }
0x6e: {  	_ =	shalt  }
0x6f: {  	_ =	shalt  }
0x70: {  	_ =	shalt  }
0x71: {  	_ =	shalt  }
0x72: {  	_ =	shalt  }
0x73: {  	_ =	shalt  }
0x74: {  	_ =	shalt  }
0x75: {  	_ =	shalt  }
0x76: {  	_ =	shalt  }
0x77: {  	_ =	shalt  }
0x78: {  	_ =	shalt  }
0x79: {  	_ =	shalt  }
0x7a: {  	_ =	shalt  }
0x7b: {  	_ =	shalt  }
0x7c: {  	_ =	shalt  }
0x7d: {  	_ =	shalt  }
0x7e: {  	_ =	shalt  }
0x7f: {  	_ =	shalt  }
0x80: {  	_ =	shalt  }
0x81: {  	_ =	shalt  }
0x82: {  	_ =	shalt  }
0x83: {  	_ =	shalt  }
0x84: {  	_ =	shalt  }
0x85: {  	_ =	shalt  }
0x86: {  	_ =	shalt  }
0x87: {  	_ =	shalt  }
.Lfunc_end0:
.L_simem_size_0:
called_computation.2_lowered:
.L_overlay_start_0:
0x88: {  	s2 =	sld [smem:$0x3FD9]  }
0x89: {  	s3 =	sld [smem:$0x3FFE];
	_ =	sdelay $0x1  }
0x8a: {  	s1 =	srdreg.scid  }
0x8b: {  	s0 =	sand.u32 $0x1, s1  }
0x8c: {  	s17 =	sshll.u32 s0, $0xA;
	s2 =	sadd.s32 s3, s2  }
0x8d: {  	s2 =	sadd.s32 s2, s17  }
0x8e: {  	[smem:$0x3FC0] =	sst s2  }
0x8f: {  	_ = 	snop  }
0x90: {  	s2 =	sld [smem:$0x3FD0];
	(tm) =	ssettm $0x1  }
0x91: {  	s18 =	sld [smem:$0x3FFB];
	_ =	sdelay $0x3  }
0x92: {  	_ =	strace s18  }
0x93: {  	s3 =	sld [smem:$0x3FFC];
	_ =	sdelay $0x3  }
0x94: {  	_ =	strace s3  }
0x95: {  	s3 =	sld [smem:$0x3FFD];
	_ =	sdelay $0x3  }
0x96: {  	_ =	strace s3  }
0x97: {  	_ =	strace $0x8FFFFFFF  }
0x98: {  	s19 =	sld [smem:$0x3FDB];
	_ =	sdelay $0x1  }
0x99: {  	s4 =	simm.s32 $_scs_section_size  }
0x9a: {  	s5 =	simm.s32 $_size__tile_overlayer_lowered;
	s6 =	simm.s32 $_tile_overlayer_lowered  }
0x9b: {  	s22 =	simm.s32 $0x1BFF;
	s21 =	sshll.u32 s6, $0x1;
	s3 =	sadd.s32 s4, s19  }
0x9c: {  	s7 =	simm.s32 $0x0;
	s20 =	sshll.u32 s5, $0x1;
	s5 =	sadd.s32 s21, s3  }
0x9d: {  	[timem:s7], [sflag:s22] =	dma.local [hbm:s5], s20  }
0x9e: {  	_ =	swait.ge [sflag:s22], s20  }
0x9f: {  	s4 =	ssub.s32 $0x0, s20;
	[sflag:s22] =	ssyncset.done $0x0  }
0xa0: {  	[sflag:s22] =	ssyncadd.s32 s4;
	_ =	sdelay $0x1  }
0xa1: {  	s23 =	simm.s32 $0x1B8B  }
0xa2: {  	_ =	swait.ge [sflag:s23], $0x1  }
0xa3: {  	[sflag:s23] =	ssyncset.done $0x0  }
0xa4: {  	s25 =	simm.s32 $0x1B8E;
	s24 =	sld [smem:$0x3FFE];
	[sflag:s23] =	ssyncadd.s32 $0xFFFFFFFF  }
0xa5: {  	s26 =	simm.s32 $execute0_lowered;
	[smem:$0x3FD2] =	sst s25  }
0xa6: {  	s5 =	sshll.u32 s26, $0x1;
	_ =	strace $0x8000004C;
	[dreg:$0x1] =	wrdreg $0xFFFFFFFF  }
0xa7: {  	s28 =	simm.s32 $_size_execute0_lowered;
	s3 =	sadd.s32 s3, s5;
	[dreg:$0x0] =	wrdreg $0x0  }
0xa8: {  	s5 =	sshll.u32 s28, $0x1;
	[dreg:$0x2] =	wrdreg s3  }
0xa9: {  	[dreg:$0x3] =	wrdreg s5  }
0xaa: {  	[dreg:$0x4] =	wrdreg $0xC0  }
0xab: {  	_ =	task [dreg:s7], $0x5FFFF  }
0xac: {  	[dreg:$0x1] =	wrdreg $0xFFFFFFFF  }
0xad: {  	[dreg:$0x0] =	wrdreg $0x60  }
0xae: {  	[dreg:$0x2] =	wrdreg s2  }
0xaf: {  	[dreg:$0x3] =	wrdreg s24  }
0xb0: {  	[dreg:$0x4] =	wrdreg $0xA7100  }
0xb1: {  	[dreg:$0x5] =	wrdreg $0x9  }
0xb2: {  	_ =	task.clear_ibuf [dreg:s7], $0x6FFFF;
	_ =	strace $0x9000004C  }
0xb3: {  	s29 =	simm.s32 $0x9;
	_ =	strace $0x8000004E  }
0xb4: {  	_ =	swait.ge [sflag:s29], $0x1  }
0xb5: {  	[sflag:s29] =	ssyncadd.s32 $0xFFFFFFFF  }
0xb6: {  	_ =	strace $0x9000004E  }
0xb7: {  	_ =	sfence  }
0xb8: {  	s30 =	sld [smem:$0x0];
	_ =	sdelay $0x2  }
0xb9: {  	s31 =	sshll.u32 s1, $0xD;
	s1 =	sshrl.u32 s1, $0x2  }
0xba: {  	s3 =	sand.u32 $0x4000, s31;
	s1 =	sadd.s32 s1, s30  }
0xbb: {  	s0 =	sor.u32 s3, s0;
	s1 =	sshll.u32 s1, $0x11  }
0xbc: {  	s0 =	sor.u32 s1, s0  }
0xbd: {  	s0 =	sadd.s32 $0x8F2B, s0  }
0xbe: {  	[sflag:s0] =	ssyncadd.remote.s32 $0x1  }
0xbf: {  	_ =	sfence.sel $0xFFFF  }
0xc0: {  	[dreg:$0x0] =	wrdreg $0xFFFFFFFF;
	(pc) =	sbr.abs _section_cstart, $3  }
0xc1: {  	[dreg:$0x1] =	wrdreg $0xFFFFFFFF  }
0xc2: {  	_ =	task.clear_ibuf [dreg:s7], $0x2FFFF;
	_ =	strace $0x9FFFFFFF  }
0xc3: {  	(tm) =	ssettm $0x7FFFFFFF  }
tec
execute0_lowered:
.L_overlay_start_1:
0x0: {  	(tag) =	ssettag $0x1  }
0x1: {  	s1 =	rddreg [dreg:$0x0]  }
0x2: {  	s11 =	rddreg [dreg:$0x1]  }
0x3: {  	s3 =	rddreg [dreg:$0x2]  }
0x4: {  	s0 =	srdreg.scid;
	s2 =	rddreg [dreg:$0x3];
	s4 =	simm.s32 $0x0  }
0x5: {  	s15 =	simm.s32 $0x83800;
	s17 =	simm.s32 $0x1;
	s18 =	simm.s32 $0x2  }
0x6: {  	s19 =	simm.s32 $0x80;
	s20 =	simm.s32 $0x2710;
	s8 =	sand.u32 $0x1, s0  }
0x7: {  	s21 =	simm.s32 $0x2688;
	s0 =	stileid.u32;
	s5 =	smul.u32 $0x13880, s8  }
0x8: {  	s22 =	simm.s32 $0x8;
	s23 =	simm.s32 $0x1380;
	s6 =	smul.u32 $0x1388, s0  }
0x9: {  	s24 =	simm.s32 $0x2708;
	s25 =	simm.s32 $0x0;
	s12 =	smul.u32 $0x13880, s0  }
0xa: {  	[smem:$0x7FF] =	sst s4;
	s30 =	ssub.s32 $0x2, s8;
	s9 =	smul.u32 $0x4E200, s0  }
0xb: {  	_ =	strace $0x8000004D;
	p0 =	seq.s32 s8, $0x1;
	s31 =	sshrl.u32 s30, $0x1  }
0xc: {  	s15 =	simm.s32 @!p0 $0x5C600;
	s5 =	sadd.s32 s6, s5;
	s13 =	ssub.s32 s30, s31  }
0xd: {  	s9 =	sshrl.u32 s9, $0x2;
	s16 =	sshrl.u32 s12, $0x3;
	s5 =	sshrl.u32 s5, $0x3  }
0xe: {  	s15 =	sadd.s32 s15, s11;
	s14 =	sadd.s32 s9, s3;
	s7 =	sadd.s32 s5, s11  }
0xf: {  	s8 =	sadd.s32 $0x4000, s14;
	s9 =	sadd.s32 $0x8000, s14;
	s10 =	sadd.s32 $0xC000, s14  }
0x10: {  	s11 =	sadd.s32 $0x10000, s14;
	s14 =	simm.s32 $0x1388;
	s5 =	sadd.s32 $0x4600, s7  }
0x11: {  	s6 =	sadd.s32 $0x9420, s7;
	s7 =	sadd.s32 s12, s3;
	s12 =	smax.u32 s13, $0x1  }
0x12: {  	v0 =	vimm.f32 $0.0e+00;
	s13 =	sadd.s32 s15, s16;
	s15 =	simm.s32 $0x6710;
	s16 =	simm.s32 $0x3  }
.LBB2_1:
0x13: {  	[tilespmem:s4], [sflag:$0x1] =	stream.linear.gather [hbm4b:s5+s4], $0x1388, $0x38;
	[tilespmem:$0x1DF90] =	vst v63  }
0x14: {  	s26 =	simm.s32 $0x0;
	s28 =	simm.s32 $0x200  }
0x15: {  	[tilespmem:s14], [sflag:$0x2] =	stream.linear.gather [hbm4b:s6+s4], $0x1388, $0x38;
	[tilespmem:$0x1DF90] =	vst v63  }
.LBB2_2:
0x16: {  	p0 =	sne.s32 s28, $0xFE00;
	[tilespmem:s26+$0x6780] =	vst v0  }
0x17: {  	[tilespmem:s26+$0x6710] =	vst v0  }
0x18: {  	[tilespmem:s26+$0x6720] =	vst v0  }
.Ltmp0:
0x19: {  	[tilespmem:s26+$0x6730] =	vst v0;
	(pc) =	sbr.rel @p0 .LBB2_2-.Ltmp0, $4  }
0x1a: {  	[tilespmem:s26+$0x6740] =	vst v0  }
0x1b: {  	[tilespmem:s26+$0x6750] =	vst v0  }
0x1c: {  	[tilespmem:s26+$0x6760] =	vst v0  }
0x1d: {  	[tilespmem:s26+$0x6770] =	vst v0;
	s26 =	sshra.s32 s28, $0x2;
	s28 =	sadd.s32 $0x200, s28  }
0x1e: {  	[tilespmem:s26+$0x6780] =	vst v0  }
0x1f: {  	[tilespmem:s26+$0x6710] =	vst v0  }
0x20: {  	[tilespmem:s26+$0x6720] =	vst v0  }
0x21: {  	[tilespmem:s26+$0x6730] =	vst v0  }
0x22: {  	[tilespmem:s26+$0x6740] =	vst v0  }
0x23: {  	[tilespmem:s26+$0x6750] =	vst v0  }
0x24: {  	[tilespmem:s26+$0x6760] =	vst v0  }
0x25: {  	[tilespmem:s26+$0x6770] =	vst v0  }
0x26: {  	[spmem:s7] =	stream.linear.scatter [tilespmem:s15], [sflag:$0x3], $0x4000, $0x38;
	[tilespmem:$0x1DF90] =	vst v63  }
0x27: {  	_ =	swait.ge [sflag:s16], $0x4000  }
0x28: {  	[sflag:s16] =	ssyncset.done $0x0  }
0x29: {  	[sflag:s16] =	ssyncadd.s32 $0xFFFFC000  }
0x2a: {  	[spmem:s8] =	stream.linear.scatter [tilespmem:s15], [sflag:$0x3], $0x4000, $0x38;
	[tilespmem:$0x1DF90] =	vst v63  }
0x2b: {  	_ =	swait.ge [sflag:s16], $0x4000  }
0x2c: {  	[sflag:s16] =	ssyncset.done $0x0  }
0x2d: {  	[sflag:s16] =	ssyncadd.s32 $0xFFFFC000  }
0x2e: {  	[spmem:s9] =	stream.linear.scatter [tilespmem:s15], [sflag:$0x3], $0x4000, $0x38;
	[tilespmem:$0x1DF90] =	vst v63  }
0x2f: {  	_ =	swait.ge [sflag:s16], $0x4000  }
0x30: {  	[sflag:s16] =	ssyncset.done $0x0  }
0x31: {  	[sflag:s16] =	ssyncadd.s32 $0xFFFFC000  }
0x32: {  	[spmem:s10] =	stream.linear.scatter [tilespmem:s15], [sflag:$0x3], $0x4000, $0x38;
	[tilespmem:$0x1DF90] =	vst v63  }
0x33: {  	_ =	swait.ge [sflag:s16], $0x4000  }
0x34: {  	[sflag:s16] =	ssyncset.done $0x0  }
0x35: {  	[sflag:s16] =	ssyncadd.s32 $0xFFFFC000  }
0x36: {  	[spmem:s11] =	stream.linear.scatter [tilespmem:s15], [sflag:$0x3], $0x3880, $0x38;
	[tilespmem:$0x1DF90] =	vst v63  }
0x37: {  	_ =	swait.ge [sflag:s16], $0x3880  }
0x38: {  	[sflag:s16] =	ssyncset.done $0x0  }
0x39: {  	[sflag:s16] =	ssyncadd.s32 $0xFFFFC780  }
0x3a: {  	_ =	swait.ge [sflag:s17], $0x1388  }
0x3b: {  	[sflag:s17] =	ssyncset.done $0x0  }
0x3c: {  	[sflag:s17] =	ssyncadd.s32 $0xFFFFEC78  }
0x3d: {  	_ =	swait.ge [sflag:s18], $0x1388  }
0x3e: {  	[sflag:s18] =	ssyncset.done $0x0  }
0x3f: {  	s30 =	simm.s32 $0x0;
	[sflag:s18] =	ssyncadd.s32 $0xFFFFEC78  }
0x40: {  	[tilespmem:s20], [sflag:$0x1] =	stream.indirect.gather [hbm4b:s1+s19], $0x80, s30, s19, $0xb8;
	[tilespmem:$0x1DF90] =	vst v63  }
0x41: {  	s31 =	simm.s32 $0x80;
	[bflag:$0x0] =	sbarrier.arrive $0xFFFF  }
0x42: {  	[tilespmem:s15], [sflag:$0x2] =	stream.indirect.gather [hbm4b:s1+s19], $0x80, s31, s19, $0xb8;
	[tilespmem:$0x1DF90] =	vst v63  }
0x43: {  	_ =	swait.ge [sflag:s17], $0x4000  }
0x44: {  	[sflag:s17] =	ssyncset.done $0x0  }
0x45: {  	s29 =	simm.s32 $0x1388;
	[sflag:s17] =	ssyncadd.s32 $0xFFFFC000  }
0x46: {  	[spmem:s3] =	stream.indirect.scatter.add.f32 [tilespmem:s20], [sflag:$0x3], $0x80, s29, s19, $0xb8;
	[tilespmem:$0x1DF90] =	vst v63  }
0x47: {  	_ =	swait.ge [sflag:s16], $0x4000  }
0x48: {  	[sflag:s16] =	ssyncset.done $0x0  }
0x49: {  	s30 =	simm.s32 $0x100;
	[sflag:s16] =	ssyncadd.s32 $0xFFFFC000  }
0x4a: {  	[tilespmem:s20], [sflag:$0x1] =	stream.indirect.gather [hbm4b:s1+s19], $0x80, s30, s19, $0xb8;
	[tilespmem:$0x1DF90] =	vst v63  }
0x4b: {  	_ =	swait.ge [sflag:s18], $0x4000  }
0x4c: {  	[sflag:s18] =	ssyncset.done $0x0  }
0x4d: {  	s31 =	simm.s32 $0x1408;
	[sflag:s18] =	ssyncadd.s32 $0xFFFFC000  }
0x4e: {  	[spmem:s3] =	stream.indirect.scatter.add.f32 [tilespmem:s15], [sflag:$0x3], $0x80, s31, s19, $0xb8;
	[tilespmem:$0x1DF90] =	vst v63  }
0x4f: {  	_ =	swait.ge [sflag:s16], $0x4000  }
0x50: {  	s28 =	simm.s32 $0x800;
	s26 =	simm.s32 $0x100;
	[sflag:s16] =	ssyncset.done $0x0  }
.LBB2_4:
0x51: {  	s29 =	sadd.s32 $0x80, s26  }
0x52: {  	[sflag:s16] =	ssyncadd.s32 $0xFFFFC000;
	s30 =	smov.u32 s28;
	s31 =	sadd.s32 $0x400, s28  }
0x53: {  	[tilespmem:s15], [sflag:$0x2] =	stream.indirect.gather [hbm4b:s1+s19], $0x80, s29, s19, $0xb8;
	[tilespmem:$0x1DF90] =	vst v63  }
0x54: {  	p0 =	sne.s32 s28, $0x4800;
	_ =	swait.ge [sflag:s17], $0x4000  }
0x55: {  	[sflag:s17] =	ssyncset.done $0x0  }
0x56: {  	s28 =	sadd.s32 $0x1388, s26;
	[sflag:s17] =	ssyncadd.s32 $0xFFFFC000  }
0x57: {  	[spmem:s3] =	stream.indirect.scatter.add.f32 [tilespmem:s20], [sflag:$0x3], $0x80, s28, s19, $0xb8;
	[tilespmem:$0x1DF90] =	vst v63  }
0x58: {  	_ =	swait.ge [sflag:s16], $0x4000  }
0x59: {  	[sflag:s16] =	ssyncset.done $0x0  }
0x5a: {  	s28 =	sadd.s32 $0x100, s26;
	[sflag:s16] =	ssyncadd.s32 $0xFFFFC000  }
0x5b: {  	[tilespmem:s20], [sflag:$0x1] =	stream.indirect.gather [hbm4b:s1+s19], $0x80, s28, s19, $0xb8;
	[tilespmem:$0x1DF90] =	vst v63  }
0x5c: {  	_ =	swait.ge [sflag:s18], $0x4000  }
.Ltmp1:
0x5d: {  	[sflag:s18] =	ssyncset.done $0x0;
	(pc) =	sbr.rel @p0 .LBB2_4-.Ltmp1, $4  }
0x5e: {  	s26 =	sadd.s32 $0x1408, s26;
	[sflag:s18] =	ssyncadd.s32 $0xFFFFC000  }
0x5f: {  	[spmem:s3] =	stream.indirect.scatter.add.f32 [tilespmem:s15], [sflag:$0x3], $0x80, s26, s19, $0xb8;
	[tilespmem:$0x1DF90] =	vst v63  }
0x60: {  	_ =	swait.ge [sflag:s16], $0x4000  }
0x61: {  	s28 =	smov.u32 s31;
	s26 =	sshra.s32 s30, $0x2;
	[sflag:s16] =	ssyncset.done $0x0  }
0x62: {  	s28 =	sadd.s32 $0x80, s26;
	[sflag:s16] =	ssyncadd.s32 $0xFFFFC000  }
0x63: {  	[tilespmem:s15], [sflag:$0x2] =	stream.indirect.gather [hbm4b:s1+s19], $0x80, s28, s19, $0xb8;
	[tilespmem:$0x1DF90] =	vst v63  }
0x64: {  	_ =	swait.ge [sflag:s17], $0x4000  }
0x65: {  	[sflag:s17] =	ssyncset.done $0x0  }
0x66: {  	s30 =	sadd.s32 $0x1388, s26;
	[sflag:s17] =	ssyncadd.s32 $0xFFFFC000  }
0x67: {  	[spmem:s3] =	stream.indirect.scatter.add.f32 [tilespmem:s20], [sflag:$0x3], $0x80, s30, s19, $0xb8;
	[tilespmem:$0x1DF90] =	vst v63  }
0x68: {  	_ =	swait.ge [sflag:s16], $0x4000  }
0x69: {  	[sflag:s16] =	ssyncset.done $0x0  }
0x6a: {  	s31 =	sadd.s32 $0x100, s26;
	[sflag:s16] =	ssyncadd.s32 $0xFFFFC000  }
0x6b: {  	[tilespmem:s20], [sflag:$0x1] =	stream.indirect.gather [hbm4b:s1+s19], $0x80, s31, s19, $0xb8;
	[tilespmem:$0x1DF90] =	vst v63  }
0x6c: {  	_ =	swait.ge [sflag:s18], $0x4000  }
0x6d: {  	[sflag:s18] =	ssyncset.done $0x0  }
0x6e: {  	s29 =	sadd.s32 $0x1408, s26;
	[sflag:s18] =	ssyncadd.s32 $0xFFFFC000  }
0x6f: {  	[spmem:s3] =	stream.indirect.scatter.add.f32 [tilespmem:s15], [sflag:$0x3], $0x80, s29, s19, $0xb8;
	[tilespmem:$0x1DF90] =	vst v63  }
0x70: {  	_ =	swait.ge [sflag:s16], $0x4000  }
0x71: {  	[sflag:s16] =	ssyncset.done $0x0  }
0x72: {  	[sflag:s16] =	ssyncadd.s32 $0xFFFFC000  }
0x73: {  	_ =	swait.ge [sflag:s17], $0x4000  }
0x74: {  	[sflag:s17] =	ssyncset.done $0x0  }
0x75: {  	[sflag:s17] =	ssyncadd.s32 $0xFFFFC000  }
0x76: {  	[spmem:s3] =	stream.indirect.scatter.add.f32 [tilespmem:s20], [sflag:$0x3], $0x80, s21, s19, $0xb8;
	[tilespmem:$0x1DF90] =	vst v63  }
0x77: {  	_ =	swait.ge [sflag:s16], $0x4000  }
0x78: {  	[sflag:s16] =	ssyncset.done $0x0  }
0x79: {  	[sflag:s16] =	ssyncadd.s32 $0xFFFFC000  }
0x7a: {  	[tilespmem:s15], [sflag:$0x2] =	stream.indirect.gather [hbm4b:s1+s22], $0x80, s23, s22, $0xb8;
	[tilespmem:$0x1DF90] =	vst v63  }
0x7b: {  	_ =	swait.ge [sflag:s18], $0x400  }
0x7c: {  	[sflag:s18] =	ssyncset.done $0x0  }
0x7d: {  	[sflag:s18] =	ssyncadd.s32 $0xFFFFFC00  }
0x7e: {  	[spmem:s3] =	stream.indirect.scatter.add.f32 [tilespmem:s15], [sflag:$0x3], $0x80, s24, s22, $0xb8;
	[tilespmem:$0x1DF90] =	vst v63  }
0x7f: {  	_ =	swait.ge [sflag:s16], $0x400  }
0x80: {  	s25 =	sadd.s32 $0x1, s25;
	s30 =	sshll.u32 s0, $0x6;
	[sflag:s16] =	ssyncset.done $0x0  }
0x81: {  	p0 =	sne.s32 s25, s12;
	s26 =	sor.u32 $0x1C03, s30;
	[sflag:s16] =	ssyncadd.s32 $0xFFFFFC00  }
.Ltmp2:
0x82: {  	s31 =	sshrl.u32 s7, $0x3;
	[bflag:$0x0] =	sbarrier.arrive $0xFFFF;
	(pc) =	sbr.rel @p0 .LBB2_1-.Ltmp2, $4  }
0x83: {  	[hbm:s13], [sflag:s26] =	dma.local [spmem:s31], $0x2710  }
0x84: {  	_ =	swait.ge [sflag:s16], $0x2710  }
0x85: {  	[sflag:s16] =	ssyncset.done $0x0  }
0x86: {  	[sflag:s16] =	ssyncadd.s32 $0xFFFFD8F0  }
0x87: {  	_ =	sfence.sel $0x180000  }
0x88: {  	[bflag:$0x0] =	sbarrier.arrive $0xFFFF  }
0x89: {  	p0 =	sne.s32 s0, $0x0;
	_ =	strace $0x9000004D  }
0x8a: {  	s0 =	sadd.s32 @!p0 $0x100000, s2;
	[bflag:$0x2] =	sbarrier.arrive $0xFFFF  }
0x8b: {  	[sflag:s0] =	ssyncadd.tile.s32 @!p0 $0x1;
	_ =	shalt  }
.Lfunc_end2:
_tile_overlayer_lowered:
.L_overlay_start_2:
0x8c: {  	(tag) =	ssettag $0x2  }
0x8d: {  	s0 =	rddreg [dreg:$0x0];
	s2 =	stileid.u32  }
0x8e: {  	s1 =	rddreg [dreg:$0x1];
	p0 =	sne.s32 s2, $0x0  }
0x8f: {  	s3 =	rddreg [dreg:$0x2];
	[bflag:$0x3] =	sbarrier.arrive $0xFFFF;
	s2 =	simm.s32 @!p0 $0x1C03  }
0x90: {  	[timem:s3], [sflag:s2] =	dma.local @!p0 [hbm:s0], s1  }
0x91: {  	s0 =	simm.s32 @!p0 $0x3  }
0x92: {  	_ =	swait.ge @!p0 [sflag:s0], s1  }
0x93: {  	s1 =	ssub.s32 @!p0 $0x0, s1;
	[sflag:s0] =	ssyncset.done @!p0 $0x0  }
0x94: {  	[sflag:s0] =	ssyncadd.s32 @!p0 s1  }
0x95: {  	[bflag:$0x3] =	sbarrier.arrive $0xFFFF  }
0x96: {  	_ =	shalt  }

// kernel: kernel.8.cloned.1.call-start
scs
__scs_entry_jumppad:
0x0: {  	(pc) =	sbr.rel $0x88, $3  }
0x1: {  	(tag) =	ssettag $0x0;
	lr =	simm.s32 $0x1  }
0x2: {  	[smem:$0x3F99] =	sst lr;
	_ =	strace $0xD0000000  }
0x3: {  	_ = 	snop  }
0x4: {  	_ = 	snop  }
0x5: {  	_ = 	snop  }
0x6: {  	_ = 	snop  }
0x7: {  	_ = 	snop  }
__scs_overlays_trampoline_lowered:
0x8: {  	[smem:$0x3FA8] =	sst s0  }
0x9: {  	[smem:$0x3FA9] =	sst s1  }
0xa: {  	[smem:$0x3FAA] =	sst s2  }
0xb: {  	[smem:$0x3FAB] =	sst s3  }
0xc: {  	[smem:$0x3FAC] =	sst s4  }
0xd: {  	[smem:$0x3FAD] =	sst s5  }
0xe: {  	[smem:$0x3FAE] =	sst s6  }
0xf: {  	[smem:$0x3FAF] =	sst s7  }
0x10: {  	[smem:$0x3FB0] =	sst s8  }
0x11: {  	[smem:$0x3FB1] =	sst s9;
	s0 =	simm.s32 @!p0 $0x0  }
0x12: {  	s1 =	sld [smem:$0x3F97];
	s0 =	simm.s32 @p0 $0x1  }
0x13: {  	[smem:$0x3FB2] =	sst s0;
	s0 =	simm.s32 @!p1 $0x0  }
0x14: {  	s2 =	sld [smem:$0x3F96];
	s0 =	simm.s32 @p1 $0x1  }
0x15: {  	[smem:$0x3FB3] =	sst s0;
	s0 =	simm.s32 @!p2 $0x0  }
0x16: {  	s3 =	sld [smem:$0x3FDB];
	s0 =	simm.s32 @p2 $0x1  }
0x17: {  	s4 =	simm.s32 $0x1BF5;
	[smem:$0x3FB5] =	sst s0  }
0x18: {  	s0 =	sld [smem:$0x3F98];
	_ =	swait.ge [sflag:s4], $0x0  }
0x19: {  	s7 =	sld [smem:$0x3F99]  }
0x1a: {  	s8 =	sadd.s32 $0xFFFFE003, lr  }
0x1b: {  	s9 =	sadd.s32 $0xFFFFFEF7, lr;
	s5 =	simm.s32 $0xFFFFFFFF;
	p2 =	slt.u32 s8, $0xFFFFF086  }
0x1c: {  	p1 =	slt.u32 s9, $0xF7A;
	s5 =	simm.s32 @!p2 $0x0  }
0x1d: {  	s5 =	simm.s32 @p1 $0x1;
	p0 =	seq.s32 s7, s2  }
0x1e: {  	s7 =	smul.u32 @!p0 $0xF7A, s2;
	p2 =	seq.s32 @!p0 s5, $0x0  }
0x1f: {  	s9 =	smul.u32 $0xF7A, s1;
	s8 =	simm.s32 @!p0 $0x1BF5;
	p2 =	por !p2, p0  }
0x20: {  	[sflag:s8] =	ssyncset.s32 @!p0 $0xFFFFF086;
	s6 =	sadd.s32 @!p0 s3, s7;
	s7 =	simm.s32 @!p0 $0x108  }
0x21: {  	s3 =	sadd.s32 s3, s9;
	s6 =	sadd.s32 @!p0 $0x88, s6;
	s7 =	simm.s32 @p2 $0x1082  }
0x22: {  	[simem:s7], [sflag:s8] =	dma.local @!p0 [hbm:s6], $0xF7A  }
0x23: {  	s9 =	sor.u32 $0xD0000000, s2;
	s6 =	simm.s32 $0x108;
	_ =	swait.ge @!p0 [sflag:s8], $0x0  }
0x24: {  	s3 =	sadd.s32 $0x88, s3;
	s6 =	simm.s32 @!p1 $0x1082;
	[sflag:s4] =	ssyncset.s32 $0xFFFFF086  }
0x25: {  	[simem:s6], [sflag:s4] =	dma.local [hbm:s3], $0xF7A  }
0x26: {  	[smem:$0x3F99] =	sst s1;
	(tag) =	ssettag s2;
	_ =	strace s9  }
0x27: {  	s1 =	sld [smem:$0x3FA9]  }
0x28: {  	s2 =	sld [smem:$0x3FAA]  }
0x29: {  	s4 =	sld [smem:$0x3FAC]  }
0x2a: {  	p0 =	seq.s32 s5, $0x0;
	s5 =	sld [smem:$0x3FAD]  }
0x2b: {  	s6 =	sld [smem:$0x3FAE]  }
0x2c: {  	s7 =	sld [smem:$0x3FAF]  }
0x2d: {  	s3 =	simm.s32 $0x108;
	s8 =	sld [smem:$0x3FB0]  }
0x2e: {  	s3 =	simm.s32 @!p0 $0x1082;
	s9 =	sld [smem:$0x3FB1]  }
0x2f: {  	lr =	sadd.s32 s0, s3;
	s0 =	sld [smem:$0x3FA8]  }
0x30: {  	s3 =	sld [smem:$0x3FAB]  }
0x31: {  	[smem:$0x3FB4] =	sst s10  }
0x32: {  	s10 =	sld [smem:$0x3FB2];
	_ =	sdelay $0x3  }
0x33: {  	p0 =	seq.s32 s10, $0x1;
	s10 =	sld [smem:$0x3FB4];
	_ =	sdelay $0x3  }
0x34: {  	[smem:$0x3FB4] =	sst s10  }
0x35: {  	s10 =	sld [smem:$0x3FB3];
	_ =	sdelay $0x3  }
0x36: {  	p1 =	seq.s32 s10, $0x1;
	s10 =	sld [smem:$0x3FB4];
	_ =	sdelay $0x3  }
0x37: {  	[smem:$0x3FB4] =	sst s10  }
0x38: {  	s10 =	sld [smem:$0x3FB5]  }
0x39: {  	_ = 	snop;
	(pc) =	sbr.ind lr, $3  }
0x3a: {  	_ = 	snop  }
0x3b: {  	_ = 	snop  }
0x3c: {  	p2 =	seq.s32 s10, $0x1;
	s10 =	sld [smem:$0x3FB4]  }
0x3d: {  	_ =	shalt  }
0x3e: {  	_ =	shalt  }
0x3f: {  	_ =	shalt  }
0x40: {  	_ =	shalt  }
0x41: {  	_ =	shalt  }
0x42: {  	_ =	shalt  }
0x43: {  	_ =	shalt  }
0x44: {  	_ =	shalt  }
0x45: {  	_ =	shalt  }
0x46: {  	_ =	shalt  }
0x47: {  	_ =	shalt  }
0x48: {  	_ =	shalt  }
0x49: {  	_ =	shalt  }
0x4a: {  	_ =	shalt  }
0x4b: {  	_ =	shalt  }
0x4c: {  	_ =	shalt  }
0x4d: {  	_ =	shalt  }
0x4e: {  	_ =	shalt  }
0x4f: {  	_ =	shalt  }
0x50: {  	_ =	shalt  }
0x51: {  	_ =	shalt  }
0x52: {  	_ =	shalt  }
0x53: {  	_ =	shalt  }
0x54: {  	_ =	shalt  }
0x55: {  	_ =	shalt  }
0x56: {  	_ =	shalt  }
0x57: {  	_ =	shalt  }
0x58: {  	_ =	shalt  }
0x59: {  	_ =	shalt  }
0x5a: {  	_ =	shalt  }
0x5b: {  	_ =	shalt  }
0x5c: {  	_ =	shalt  }
0x5d: {  	_ =	shalt  }
0x5e: {  	_ =	shalt  }
0x5f: {  	_ =	shalt  }
0x60: {  	_ =	shalt  }
0x61: {  	_ =	shalt  }
0x62: {  	_ =	shalt  }
0x63: {  	_ =	shalt  }
0x64: {  	_ =	shalt  }
0x65: {  	_ =	shalt  }
0x66: {  	_ =	shalt  }
0x67: {  	_ =	shalt  }
0x68: {  	_ =	shalt  }
0x69: {  	_ =	shalt  }
0x6a: {  	_ =	shalt  }
0x6b: {  	_ =	shalt  }
0x6c: {  	_ =	shalt  }
0x6d: {  	_ =	shalt  }
0x6e: {  	_ =	shalt  }
0x6f: {  	_ =	shalt  }
0x70: {  	_ =	shalt  }
0x71: {  	_ =	shalt  }
0x72: {  	_ =	shalt  }
0x73: {  	_ =	shalt  }
0x74: {  	_ =	shalt  }
0x75: {  	_ =	shalt  }
0x76: {  	_ =	shalt  }
0x77: {  	_ =	shalt  }
0x78: {  	_ =	shalt  }
0x79: {  	_ =	shalt  }
0x7a: {  	_ =	shalt  }
0x7b: {  	_ =	shalt  }
0x7c: {  	_ =	shalt  }
0x7d: {  	_ =	shalt  }
0x7e: {  	_ =	shalt  }
0x7f: {  	_ =	shalt  }
0x80: {  	_ =	shalt  }
0x81: {  	_ =	shalt  }
0x82: {  	_ =	shalt  }
0x83: {  	_ =	shalt  }
0x84: {  	_ =	shalt  }
0x85: {  	_ =	shalt  }
0x86: {  	_ =	shalt  }
0x87: {  	_ =	shalt  }
.Lfunc_end0:
.L_simem_size_0:
called_computation_lowered:
.L_overlay_start_0:
0x88: {  	s2 =	sld [smem:$0x3FD9]  }
0x89: {  	s3 =	sld [smem:$0x3FFE];
	_ =	sdelay $0x1  }
0x8a: {  	s1 =	srdreg.scid  }
0x8b: {  	s0 =	sand.u32 $0x1, s1  }
0x8c: {  	s16 =	sshll.u32 s0, $0xA;
	s2 =	sadd.s32 s3, s2  }
0x8d: {  	s2 =	sadd.s32 s2, s16  }
0x8e: {  	[smem:$0x3FC0] =	sst s2  }
0x8f: {  	_ = 	snop  }
0x90: {  	(tm) =	ssettm $0x1  }
0x91: {  	s17 =	sld [smem:$0x3FFB];
	_ =	sdelay $0x3  }
0x92: {  	_ =	strace s17  }
0x93: {  	s2 =	sld [smem:$0x3FFC];
	_ =	sdelay $0x3  }
0x94: {  	_ =	strace s2  }
0x95: {  	s2 =	sld [smem:$0x3FFD];
	_ =	sdelay $0x3  }
0x96: {  	_ =	strace s2  }
0x97: {  	_ =	strace $0x8FFFFFFF  }
0x98: {  	s18 =	sld [smem:$0x3FDB];
	_ =	sdelay $0x1  }
0x99: {  	s19 =	simm.s32 $_scs_section_size  }
0x9a: {  	s4 =	simm.s32 $_size__tile_overlayer_lowered;
	s5 =	simm.s32 $_tile_overlayer_lowered  }
0x9b: {  	s22 =	simm.s32 $0x1BFF;
	s21 =	sshll.u32 s5, $0x1;
	s2 =	sadd.s32 s19, s18  }
0x9c: {  	s6 =	simm.s32 $0x0;
	s20 =	sshll.u32 s4, $0x1;
	s4 =	sadd.s32 s21, s2  }
0x9d: {  	[timem:s6], [sflag:s22] =	dma.local [hbm:s4], s20  }
0x9e: {  	_ =	swait.ge [sflag:s22], s20  }
0x9f: {  	s3 =	ssub.s32 $0x0, s20;
	[sflag:s22] =	ssyncset.done $0x0  }
0xa0: {  	[sflag:s22] =	ssyncadd.s32 s3;
	_ =	sdelay $0x1  }
0xa1: {  	s23 =	simm.s32 $0x1B8B  }
0xa2: {  	_ =	swait.ge [sflag:s23], $0x1  }
0xa3: {  	[sflag:s23] =	ssyncset.done $0x0  }
0xa4: {  	s25 =	simm.s32 $0x1B8E;
	s24 =	sld [smem:$0x3FFE];
	[sflag:s23] =	ssyncadd.s32 $0xFFFFFFFF  }
0xa5: {  	s26 =	simm.s32 $execute0_lowered;
	[smem:$0x3FD2] =	sst s25  }
0xa6: {  	s4 =	sshll.u32 s26, $0x1;
	_ =	strace $0x80000046;
	[dreg:$0x1] =	wrdreg $0xFFFFFFFF  }
0xa7: {  	s28 =	simm.s32 $_size_execute0_lowered;
	s2 =	sadd.s32 s2, s4;
	[dreg:$0x0] =	wrdreg $0x0  }
0xa8: {  	s4 =	sshll.u32 s28, $0x1;
	[dreg:$0x2] =	wrdreg s2  }
0xa9: {  	[dreg:$0x3] =	wrdreg s4  }
0xaa: {  	[dreg:$0x4] =	wrdreg $0xC0  }
0xab: {  	_ =	task [dreg:s6], $0x5FFFF  }
0xac: {  	[dreg:$0x1] =	wrdreg $0xFFFFFFFF  }
0xad: {  	[dreg:$0x0] =	wrdreg $0x60  }
0xae: {  	[dreg:$0x2] =	wrdreg s24  }
0xaf: {  	[dreg:$0x3] =	wrdreg $0x42680  }
0xb0: {  	[dreg:$0x4] =	wrdreg $0x9  }
0xb1: {  	_ =	task.clear_ibuf [dreg:s6], $0x5FFFF;
	_ =	strace $0x90000046  }
0xb2: {  	s29 =	simm.s32 $0x9;
	_ =	strace $0x80000048  }
0xb3: {  	_ =	swait.ge [sflag:s29], $0x1  }
0xb4: {  	[sflag:s29] =	ssyncadd.s32 $0xFFFFFFFF  }
0xb5: {  	_ =	strace $0x90000048  }
0xb6: {  	_ =	sfence  }
0xb7: {  	s30 =	sld [smem:$0x0];
	_ =	sdelay $0x2  }
0xb8: {  	s31 =	sshll.u32 s1, $0xD;
	s1 =	sshrl.u32 s1, $0x2  }
0xb9: {  	s3 =	sand.u32 $0x4000, s31;
	s1 =	sadd.s32 s1, s30  }
0xba: {  	s0 =	sor.u32 s3, s0;
	s1 =	sshll.u32 s1, $0x11  }
0xbb: {  	s0 =	sor.u32 s1, s0  }
0xbc: {  	s0 =	sadd.s32 $0x8F2B, s0  }
0xbd: {  	[sflag:s0] =	ssyncadd.remote.s32 $0x1  }
0xbe: {  	_ =	sfence.sel $0xFFFF  }
0xbf: {  	[dreg:$0x0] =	wrdreg $0xFFFFFFFF;
	(pc) =	sbr.abs _section_cstart, $3  }
0xc0: {  	[dreg:$0x1] =	wrdreg $0xFFFFFFFF  }
0xc1: {  	_ =	task.clear_ibuf [dreg:s6], $0x2FFFF;
	_ =	strace $0x9FFFFFFF  }
0xc2: {  	(tm) =	ssettm $0x7FFFFFFF  }
0xc3: {  	_ =	shalt  }
tec
execute0_lowered:
.L_overlay_start_1:
0x0: {  	(tag) =	ssettag $0x1  }
0x1: {  	s9 =	rddreg [dreg:$0x0]  }
0x2: {  	s1 =	srdreg.scid;
	s0 =	stileid.u32  }
0x3: {  	s2 =	rddreg [dreg:$0x1];
	s3 =	simm.s32 $0x0;
	s13 =	simm.s32 $0xE400  }
0x4: {  	s5 =	sand.u32 $0x1, s1;
	s6 =	smul.u32 $0x2710, s0;
	s1 =	rddreg [dreg:$0x2]  }
0x5: {  	s16 =	simm.s32 $0x0;
	[smem:$0x7FF] =	sst s3;
	s8 =	smul.u32 $0x1388, s0  }
0x6: {  	s10 =	sadd.s32 $0x4600, s9;
	s31 =	sshll.u32 s0, $0x6;
	s7 =	smul.u32 $0x13880, s5  }
0x7: {  	s4 =	ssub.s32 $0x2, s5;
	_ =	strace $0x80000047;
	p0 =	seq.s32 s5, $0x1  }
0x8: {  	s11 =	sshrl.u32 s4, $0x1;
	s12 =	sshrl.u32 s6, $0x3;
	s13 =	simm.s32 @!p0 $0x13400  }
0x9: {  	s11 =	ssub.s32 s4, s11;
	s4 =	sadd.s32 s6, s2;
	s8 =	sadd.s32 s7, s8  }
0xa: {  	s13 =	sadd.s32 s13, s9;
	s29 =	sshrl.u32 s8, $0x3;
	s5 =	smax.u32 s11, $0x1  }
0xb: {  	s7 =	sadd.s32 $0x274E8, s8;
	s14 =	sadd.s32 $0x27CB8, s8;
	s11 =	sadd.s32 s13, s12  }
0xc: {  	s12 =	simm.s32 $0x3E8;
	s13 =	simm.s32 $0x1;
	s15 =	sshrl.u32 s4, $0x3  }
0xd: {  	s30 =	sadd.s32 s10, s29;
	s7 =	sshrl.u32 s7, $0x3;
	s14 =	sshrl.u32 s14, $0x3  }
0xe: {  	s6 =	sadd.s32 $0x4E20, s30;
	s7 =	sadd.s32 s10, s7;
	s8 =	sadd.s32 $0x4F1A, s30  }
0xf: {  	v0 =	vimm.f32 $0.0e+00;
	v1 =	vimm.f32 $1.000000000e+00;
	s9 =	sadd.s32 s10, s14;
	s10 =	sadd.s32 $0x5014, s30;
	s14 =	sor.u32 $0x1C01, s31  }
.LBB2_1:
0x10: {  	s17 =	simm.s32 $0x40;
	s18 =	simm.s32 $0x0  }
.LBB2_2:
0x11: {  	p0 =	sne.s32 s17, $0xF9C0;
	[tilespmem:s18+$0x3E8] =	vst v0;
	s18 =	smov.u32 s17;
	s17 =	sadd.s32 $0x40, s17  }
.Ltmp0:
0x12: {  	(pc) =	sbr.rel @p0 .LBB2_2-.Ltmp0, $2  }
0x13: {  	_ =	sdelay $0x2  }
0x14: {  	s18 =	sshra.s32 s18, $0x2  }
0x15: {  	[tilespmem:s18+$0x3E8] =	vst v0  }
0x16: {  	[spmem:s4] =	stream.linear.scatter [tilespmem:s12], [sflag:$0x1], $0x2710, $0x38;
	[tilespmem:$0x6978] =	vst v63  }
0x17: {  	_ =	swait.ge [sflag:s13], $0x2710  }
0x18: {  	[sflag:s13] =	ssyncset.done $0x0  }
0x19: {  	s17 =	simm.s32 $0x40;
	s18 =	simm.s32 $0x0;
	[sflag:s13] =	ssyncadd.s32 $0xFFFFD8F0  }
.LBB2_4:
0x1a: {  	p0 =	sne.s32 s17, $0xF9C0;
	[tilespmem:s18+$0x3E8] =	vst v1;
	s18 =	smov.u32 s17;
	s17 =	sadd.s32 $0x40, s17  }
.Ltmp1:
0x1b: {  	(pc) =	sbr.rel @p0 .LBB2_4-.Ltmp1, $2  }
0x1c: {  	_ =	sdelay $0x2  }
0x1d: {  	s18 =	sshra.s32 s18, $0x2  }
0x1e: {  	[tilespmem:s18+$0x3E8] =	vst v1  }
0x1f: {  	[bflag:$0x0] =	sbarrier.arrive $0xFFFF  }
0x20: {  	[tilespmem:s3], [sflag:$0x1] =	stream.linear.gather [hbm4b:s6+s3], $0x3E8, $0x38;
	[tilespmem:$0x6978] =	vst v63  }
0x21: {  	_ =	swait.ge [sflag:s13], $0x3E8  }
0x22: {  	[sflag:s13] =	ssyncset.done $0x0  }
0x23: {  	[sflag:s13] =	ssyncadd.s32 $0xFFFFFC18  }
0x24: {  	[spmem:s2] =	stream.indirect.scatter.add.f32 [tilespmem:s12], [sflag:$0x1], $0x10, s3, s12, $0xb8;
	[tilespmem:$0x6978] =	vst v63  }
0x25: {  	_ =	swait.ge [sflag:s13], $0x3E80  }
0x26: {  	[sflag:s13] =	ssyncset.done $0x0  }
0x27: {  	[sflag:s13] =	ssyncadd.s32 $0xFFFFC180  }
0x28: {  	[tilespmem:s3], [sflag:$0x1] =	stream.linear.gather [hbm4b:s7+s3], $0x3E8, $0x38;
	[tilespmem:$0x6978] =	vst v63  }
0x29: {  	_ =	swait.ge [sflag:s13], $0x3E8  }
0x2a: {  	[sflag:s13] =	ssyncset.done $0x0  }
0x2b: {  	[sflag:s13] =	ssyncadd.s32 $0xFFFFFC18  }
0x2c: {  	[spmem:s2] =	stream.indirect.scatter.add.f32 [tilespmem:s12], [sflag:$0x1], $0x10, s3, s12, $0xb8;
	[tilespmem:$0x6978] =	vst v63  }
0x2d: {  	_ =	swait.ge [sflag:s13], $0x3E80  }
0x2e: {  	[sflag:s13] =	ssyncset.done $0x0  }
0x2f: {  	[sflag:s13] =	ssyncadd.s32 $0xFFFFC180  }
0x30: {  	[tilespmem:s3], [sflag:$0x1] =	stream.linear.gather [hbm4b:s8+s3], $0x3E8, $0x38;
	[tilespmem:$0x6978] =	vst v63  }
0x31: {  	_ =	swait.ge [sflag:s13], $0x3E8  }
0x32: {  	[sflag:s13] =	ssyncset.done $0x0  }
0x33: {  	[sflag:s13] =	ssyncadd.s32 $0xFFFFFC18  }
0x34: {  	[spmem:s2] =	stream.indirect.scatter.add.f32 [tilespmem:s12], [sflag:$0x1], $0x10, s3, s12, $0xb8;
	[tilespmem:$0x6978] =	vst v63  }
0x35: {  	_ =	swait.ge [sflag:s13], $0x3E80  }
0x36: {  	[sflag:s13] =	ssyncset.done $0x0  }
0x37: {  	[sflag:s13] =	ssyncadd.s32 $0xFFFFC180  }
0x38: {  	[tilespmem:s3], [sflag:$0x1] =	stream.linear.gather [hbm4b:s9+s3], $0x3E8, $0x38;
	[tilespmem:$0x6978] =	vst v63  }
0x39: {  	_ =	swait.ge [sflag:s13], $0x3E8  }
0x3a: {  	[sflag:s13] =	ssyncset.done $0x0  }
0x3b: {  	[sflag:s13] =	ssyncadd.s32 $0xFFFFFC18  }
0x3c: {  	[spmem:s2] =	stream.indirect.scatter.add.f32 [tilespmem:s12], [sflag:$0x1], $0x10, s3, s12, $0xb8;
	[tilespmem:$0x6978] =	vst v63  }
0x3d: {  	_ =	swait.ge [sflag:s13], $0x3E80  }
0x3e: {  	[sflag:s13] =	ssyncset.done $0x0  }
0x3f: {  	[sflag:s13] =	ssyncadd.s32 $0xFFFFC180  }
0x40: {  	[tilespmem:s3], [sflag:$0x1] =	stream.linear.gather [hbm4b:s10+s3], $0x3E8, $0x38;
	[tilespmem:$0x6978] =	vst v63  }
0x41: {  	_ =	swait.ge [sflag:s13], $0x3E8  }
0x42: {  	[sflag:s13] =	ssyncset.done $0x0  }
0x43: {  	[sflag:s13] =	ssyncadd.s32 $0xFFFFFC18  }
0x44: {  	[spmem:s2] =	stream.indirect.scatter.add.f32 [tilespmem:s12], [sflag:$0x1], $0x10, s3, s12, $0xb8;
	[tilespmem:$0x6978] =	vst v63  }
0x45: {  	_ =	swait.ge [sflag:s13], $0x3E80  }
0x46: {  	s16 =	sadd.s32 $0x1, s16;
	[sflag:s13] =	ssyncset.done $0x0  }
0x47: {  	p0 =	sne.s32 s16, s5;
	[sflag:s13] =	ssyncadd.s32 $0xFFFFC180  }
.Ltmp2:
0x48: {  	[bflag:$0x0] =	sbarrier.arrive $0xFFFF;
	(pc) =	sbr.rel @p0 .LBB2_1-.Ltmp2, $4  }
0x49: {  	[hbm:s11], [sflag:s14] =	dma.local [spmem:s15], $0x4E2  }
0x4a: {  	_ =	swait.ge [sflag:s13], $0x4E2  }
0x4b: {  	[sflag:s13] =	ssyncset.done $0x0  }
0x4c: {  	[sflag:s13] =	ssyncadd.s32 $0xFFFFFB1E  }
0x4d: {  	_ =	sfence.sel $0x180000  }
0x4e: {  	[bflag:$0x0] =	sbarrier.arrive $0xFFFF  }
0x4f: {  	p0 =	sne.s32 s0, $0x0;
	_ =	strace $0x90000047  }
0x50: {  	s0 =	sadd.s32 @!p0 $0x100000, s1;
	[bflag:$0x2] =	sbarrier.arrive $0xFFFF  }
0x51: {  	[sflag:s0] =	ssyncadd.tile.s32 @!p0 $0x1;
	_ =	shalt  }
.Lfunc_end2:
_tile_overlayer_lowered:
.L_overlay_start_2:
0x52: {  	(tag) =	ssettag $0x2  }
0x53: {  	s0 =	rddreg [dreg:$0x0];
	s2 =	stileid.u32  }
0x54: {  	s1 =	rddreg [dreg:$0x1];
	p0 =	sne.s32 s2, $0x0  }
0x55: {  	s3 =	rddreg [dreg:$0x2];
	[bflag:$0x3] =	sbarrier.arrive $0xFFFF;
	s2 =	simm.s32 @!p0 $0x1C01  }
0x56: {  	[timem:s3], [sflag:s2] =	dma.local @!p0 [hbm:s0], s1  }
0x57: {  	s0 =	simm.s32 @!p0 $0x1  }
0x58: {  	_ =	swait.ge @!p0 [sflag:s0], s1  }
0x59: {  	s1 =	ssub.s32 @!p0 $0x0, s1;
	[sflag:s0] =	ssyncset.done @!p0 $0x0  }
0x5a: {  	[sflag:s0] =	ssyncadd.s32 @!p0 s1  }
0x5b: {  	[bflag:$0x3] =	sbarrier.arrive $0xFFFF  }
0x5c: {  	_ =	shalt  }

</sc_bundles>
